<compile_context>
chip_gen: v7x
topology: tpu7x:2x2x1
jax: 0.10.2.dev20260603
libtpu: 0.0.44.dev20260713+nightly
codegen_flags: <defaults>
</compile_context>

<pallas_src>
import functools

import jax
import jax.numpy as jnp
from jax import lax
from jax.experimental import pallas as pl
from jax.experimental.pallas import tpu as pltpu
from jax.experimental.pallas import tpu_sc as plsc

_N = 10000
_E = 320000
_D = 128
_NC = 2
_NS = 16
_NW = _NC * _NS
_CH = 128
_NCHUNK = 80
_WIN = 8
_NWIN = _NCHUNK // _WIN
_WPW = _NCHUNK * _CH
_EPAD = _NW * _WPW
_NDUMMY = _N
_NPAD = 10240
_RPT = _NPAD // _NS

_mesh = plsc.VectorSubcoreMesh(core_axis_name="c", subcore_axis_name="s")


def _sc_hist_body(edges, zeros1, deg_out, src_idx, dst_idx, ones_v,
                  hist_src, hist_dst, sem_a, sem_b):
    c = lax.axis_index("c")
    s = lax.axis_index("s")
    wid = s * _NC + c
    for i in range(_CH // 16):
        ones_v[pl.ds(i * 16, 16)] = jnp.ones((16,), jnp.float32)
    @pl.when(s == 0)
    def _():
        pltpu.sync_copy(zeros1, hist_src)
        pltpu.sync_copy(zeros1, hist_dst)
    pltpu.sync_copy(edges.at[0, wid], src_idx)
    pltpu.sync_copy(edges.at[1, wid], dst_idx)
    plsc.subcore_barrier()

    @pl.loop(0, _NCHUNK)
    def _(j):
        da = pltpu.async_copy(ones_v, hist_src.at[src_idx.at[j]], sem_a,
                              add=True)
        db = pltpu.async_copy(ones_v, hist_dst.at[dst_idx.at[j]], sem_b,
                              add=True)
        da.wait()
        db.wait()

    plsc.subcore_barrier()
    @pl.when(s == 0)
    def _():
        pltpu.sync_copy(hist_src, deg_out.at[c, 0])
        pltpu.sync_copy(hist_dst, deg_out.at[c, 1])


_sc_hist = pl.kernel(
    _sc_hist_body,
    out_type=jax.ShapeDtypeStruct((_NC, 2, _NPAD), jnp.float32),
    mesh=_mesh,
    scratch_types=[
        pltpu.VMEM((_NCHUNK, _CH), jnp.int32),
        pltpu.VMEM((_NCHUNK, _CH), jnp.int32),
        pltpu.VMEM((_CH,), jnp.float32),
        pltpu.VMEM_SHARED((_NPAD,), jnp.float32),
        pltpu.VMEM_SHARED((_NPAD,), jnp.float32),
        pltpu.SemaphoreType.DMA,
        pltpu.SemaphoreType.DMA,
    ],
)


_HALF = _NCHUNK // 2


def _sc_agg_body(h, edges, zrow, out, src_idx, dst_idx, rows, agg_sh,
                 gsem, ssem):
    c = lax.axis_index("c")
    s = lax.axis_index("s")
    wid = s * _NC + c
    pltpu.sync_copy(zrow, agg_sh.at[pl.ds(s * _RPT, _RPT)])
    plsc.subcore_barrier()

    def _phase(base):
        pltpu.sync_copy(edges.at[0, wid, pl.ds(base, _HALF)], src_idx)
        pltpu.sync_copy(edges.at[1, wid, pl.ds(base, _HALF)], dst_idx)
        pltpu.async_copy(h.at[src_idx.at[0]], rows.at[0], gsem).wait()

        @pl.loop(0, _HALF - 1)
        def _(j):
            b = j % 2
            dg = pltpu.async_copy(h.at[src_idx.at[j + 1]], rows.at[1 - b],
                                  gsem)
            ds = pltpu.async_copy(rows.at[b], agg_sh.at[dst_idx.at[j]],
                                  ssem, add=True)
            ds.wait()
            dg.wait()

        bl = (_HALF - 1) % 2
        pltpu.async_copy(rows.at[bl], agg_sh.at[dst_idx.at[_HALF - 1]],
                         ssem, add=True).wait()

    _phase(0)
    _phase(_HALF)

    plsc.subcore_barrier()
    pltpu.sync_copy(agg_sh.at[pl.ds(s * _RPT, _RPT)],
                    out.at[c, pl.ds(s * _RPT, _RPT)])


_sc_agg = pl.kernel(
    _sc_agg_body,
    out_type=jax.ShapeDtypeStruct((_NC, _NPAD, _D), jnp.float32),
    mesh=_mesh,
    scratch_types=[
        pltpu.VMEM((_HALF, _CH), jnp.int32),
        pltpu.VMEM((_HALF, _CH), jnp.int32),
        pltpu.VMEM((2, _CH, _D), jnp.float32),
        pltpu.VMEM_SHARED((_NPAD, _D), jnp.float32),
        pltpu.SemaphoreType.DMA,
        pltpu.SemaphoreType.DMA,
    ],
)


def _tc_proj_body(feat_ref, degp_ref, wmu_ref, wlsd_ref, epsw_ref, h_ref):
    deg = degp_ref[0] + degp_ref[1]
    norm_l = lax.rsqrt(jnp.maximum(deg, 1.0))
    w = wmu_ref[...] + jnp.exp(wlsd_ref[...]) * epsw_ref[...]
    h_ref[...] = jnp.dot(feat_ref[...] * norm_l, w,
                         preferred_element_type=jnp.float32)


_BR1 = 1280

_tc_proj = pl.pallas_call(
    _tc_proj_body,
    grid=(_NPAD // _BR1,),
    in_specs=[
        pl.BlockSpec((_BR1, _D), lambda i: (i, 0)),
        pl.BlockSpec((2, _BR1, 1), lambda i: (0, i, 0)),
        pl.BlockSpec((_D, _D), lambda i: (0, 0)),
        pl.BlockSpec((_D, _D), lambda i: (0, 0)),
        pl.BlockSpec((_D, _D), lambda i: (0, 0)),
    ],
    out_specs=pl.BlockSpec((_BR1, _D), lambda i: (i, 0)),
    out_shape=jax.ShapeDtypeStruct((_NPAD, _D), jnp.float32),
)


def _kl_sum(mu_q, logsd_q, mu_p, logsd_p):
    var_q = jnp.exp(2.0 * logsd_q)
    var_p = jnp.exp(2.0 * logsd_p)
    t = (logsd_p - logsd_q) + (var_q + (mu_q - mu_p) ** 2) / (2.0 * var_p) - 0.5
    return jnp.sum(t)


def _tc_post_body(partials_ref, degp_ref, bmu_ref, blsd_ref, epsb_ref,
                  wmu_ref, wlsd_ref, wpmu_ref, wplsd_ref, bpmu_ref,
                  bplsd_ref, rst_ref, kl_ref):
    i = pl.program_id(0)
    agg = partials_ref[0] + partials_ref[1]
    deg = degp_ref[0] + degp_ref[1]
    norm_r = lax.rsqrt(jnp.maximum(deg, 1.0))
    bias = bmu_ref[...] + jnp.exp(blsd_ref[...]) * epsb_ref[...]
    rst_ref[...] = agg * norm_r + bias

    @pl.when(i == 0)
    def _():
        kl = _kl_sum(wmu_ref[...], wlsd_ref[...], wpmu_ref[...], wplsd_ref[...])
        kl += _kl_sum(bmu_ref[...], blsd_ref[...], bpmu_ref[...], bplsd_ref[...])
        kl_ref[...] = jnp.broadcast_to(kl, (1, 1))


_BR2 = 1000

_tc_post = pl.pallas_call(
    _tc_post_body,
    grid=(_N // _BR2,),
    in_specs=[
        pl.BlockSpec((2, _BR2, _D), lambda i: (0, i, 0)),
        pl.BlockSpec((2, _BR2, 1), lambda i: (0, i, 0)),
        pl.BlockSpec((1, _D), lambda i: (0, 0)),
        pl.BlockSpec((1, _D), lambda i: (0, 0)),
        pl.BlockSpec((1, _D), lambda i: (0, 0)),
        pl.BlockSpec((_D, _D), lambda i: (0, 0)),
        pl.BlockSpec((_D, _D), lambda i: (0, 0)),
        pl.BlockSpec((_D, _D), lambda i: (0, 0)),
        pl.BlockSpec((_D, _D), lambda i: (0, 0)),
        pl.BlockSpec((1, _D), lambda i: (0, 0)),
        pl.BlockSpec((1, _D), lambda i: (0, 0)),
    ],
    out_specs=[
        pl.BlockSpec((_BR2, _D), lambda i: (i, 0)),
        pl.BlockSpec((1, 1), lambda i: (0, 0)),
    ],
    out_shape=[
        jax.ShapeDtypeStruct((_N, _D), jnp.float32),
        jax.ShapeDtypeStruct((1, 1), jnp.float32),
    ],
)


def kernel(feat, edge_index, weight_mu, weight_logsd, bias_mu, bias_logsd,
           weight_prior_mu, weight_prior_logsd, bias_prior_mu,
           bias_prior_logsd, eps_w, eps_b):
    padv = _N + jnp.arange(_EPAD - _E, dtype=jnp.int32) % (_NPAD - _N)
    e = jnp.concatenate([edge_index, jnp.stack([padv, padv])], axis=1)
    edges = e.reshape(2, _NW, _NCHUNK, _CH)
    feat_pad = jnp.concatenate(
        [feat, jnp.zeros((_NPAD - _N, _D), feat.dtype)], axis=0)
    zeros1 = jnp.zeros((_NPAD,), jnp.float32)
    zrow = jnp.zeros((_RPT, _D), jnp.float32)

    degp = _sc_hist(edges, zeros1)
    deg_src = degp[:, 0, :].reshape(_NC, _NPAD, 1)
    deg_dst = degp[:, 1, :].reshape(_NC, _NPAD, 1)

    h = _tc_proj(feat_pad, deg_src, weight_mu, weight_logsd, eps_w)
    partials = _sc_agg(h, edges, zrow)

    rst, kl = _tc_post(partials, deg_dst, bias_mu, bias_logsd, eps_b,
                       weight_mu, weight_logsd, weight_prior_mu,
                       weight_prior_logsd, bias_prior_mu, bias_prior_logsd)
    return rst, kl[0, 0]

# --- scband reference (transcript-rebuilt; emitter-appended) ---
"""Pipeline reference for scband-bcgnconv-26998164422989 (READ-ONLY COPY).

The authoritative reference and input builder live on the scoring server;
editing this copy changes nothing except your own understanding.
"""

import jax, jax.numpy as jnp
import numpy as np
import math

N = 10000
E = 320000
D_IN = 128
D_OUT = 128


def _kl_normal(mu_q, logsd_q, mu_p, logsd_p):
    var_q = jnp.exp(2.0 * logsd_q)
    var_p = jnp.exp(2.0 * logsd_p)
    return (logsd_p - logsd_q) + (var_q + (mu_q - mu_p) ** 2) / (2.0 * var_p) - 0.5


def setup_inputs(seed: int = 0) -> dict:
    key = jax.random.key(seed)
    k1, k2, k3, k4, k5 = jax.random.split(key, 5)
    feat = jax.random.normal(k1, (N, D_IN), dtype=jnp.float32)
    edge_index = jax.random.randint(k2, (2, E), 0, N, dtype=jnp.int32)
    limit = math.sqrt(6.0 / (D_IN + D_OUT))
    weight_mu = jax.random.uniform(k3, (D_IN, D_OUT), minval=-limit, maxval=limit, dtype=jnp.float32)
    weight_logsd = jnp.full((D_IN, D_OUT), -6.0, dtype=jnp.float32)
    bias_mu = jnp.zeros((1, D_OUT), dtype=jnp.float32)
    bias_logsd = jnp.full((1, D_OUT), -6.0, dtype=jnp.float32)
    weight_prior_mu = jnp.zeros((D_IN, D_OUT), dtype=jnp.float32)
    weight_prior_logsd = jnp.zeros((D_IN, D_OUT), dtype=jnp.float32)
    bias_prior_mu = jnp.zeros((1, D_OUT), dtype=jnp.float32)
    bias_prior_logsd = jnp.zeros((1, D_OUT), dtype=jnp.float32)
    eps_w = jax.random.normal(k4, (D_IN, D_OUT), dtype=jnp.float32)
    eps_b = jax.random.normal(k5, (1, D_OUT), dtype=jnp.float32)
    return {
        "feat": feat,
        "edge_index": edge_index,
        "weight_mu": weight_mu,
        "weight_logsd": weight_logsd,
        "bias_mu": bias_mu,
        "bias_logsd": bias_logsd,
        "weight_prior_mu": weight_prior_mu,
        "weight_prior_logsd": weight_prior_logsd,
        "bias_prior_mu": bias_prior_mu,
        "bias_prior_logsd": bias_prior_logsd,
        "eps_w": eps_w,
        "eps_b": eps_b,
    }


def reference(feat, edge_index, weight_mu, weight_logsd, bias_mu, bias_logsd,
              weight_prior_mu, weight_prior_logsd, bias_prior_mu, bias_prior_logsd,
              eps_w, eps_b):
    src = edge_index[0]
    dst = edge_index[1]
    # norm == 'both': left-normalize by out_degree^{-1/2}
    out_deg = jnp.bincount(src, length=N).astype(feat.dtype)
    out_deg = jnp.clip(out_deg, 1.0, None)
    norm_l = jnp.power(out_deg, -0.5)
    feat_src = feat * norm_l[:, None]
    # reparameterized weight sample + KL vs prior
    weight = weight_mu + jnp.exp(weight_logsd) * eps_w
    kl = jnp.sum(_kl_normal(weight_mu, weight_logsd, weight_prior_mu, weight_prior_logsd))
    # in_feats == out_feats -> aggregate first (copy_u + sum), then matmul
    msgs = jnp.take(feat_src, src, axis=0)
    agg = jax.ops.segment_sum(msgs, dst, num_segments=N)
    rst = jnp.matmul(agg, weight)
    # right-normalize by in_degree^{-1/2}
    in_deg = jnp.bincount(dst, length=N).astype(feat.dtype)
    in_deg = jnp.clip(in_deg, 1.0, None)
    norm_r = jnp.power(in_deg, -0.5)
    rst = rst * norm_r[:, None]
    # reparameterized bias sample + KL
    bias = bias_mu + jnp.exp(bias_logsd) * eps_b
    kl = kl + jnp.sum(_kl_normal(bias_mu, bias_logsd, bias_prior_mu, bias_prior_logsd))
    rst = rst + bias
    return (rst, kl)

if __name__ == "__main__":
    import jax
    _d = setup_inputs()
    print(jax.jit(kernel)(*tuple(_d.values())))

</pallas_src>

<mosaic_0001>
#map = affine_map<(d0, d1) -> (0, 0, 0, 0)>
#map1 = affine_map<(d0, d1) -> (0)>
#map2 = affine_map<(d0, d1) -> (0, 0, 0)>
module attributes {stable_mosaic.version = 14 : i64} {
  func.func @_sc_hist_body(%arg0: i32, %arg1: i32, %arg2: memref<2x32x80x128xi32, #tpu.memory_space<hbm>>, %arg3: memref<10240xf32, #tpu.memory_space<hbm>>, %arg4: memref<2x2x10240xf32, #tpu.memory_space<hbm>>, %arg5: memref<80x128xi32, #tpu.memory_space<vmem>>, %arg6: memref<80x128xi32, #tpu.memory_space<vmem>>, %arg7: memref<128xf32, #tpu.memory_space<vmem>>, %arg8: memref<10240xf32, #tpu.memory_space<vmem_shared>>, %arg9: memref<10240xf32, #tpu.memory_space<vmem_shared>>, %arg10: memref<!tpu.dma_semaphore, #tpu.memory_space<semaphore_mem>>, %arg11: memref<!tpu.dma_semaphore, #tpu.memory_space<semaphore_mem>>) attributes {dimension_semantics = [#tpu.dimension_semantics<core_parallel>, #tpu.dimension_semantics<subcore_parallel>], iteration_bounds = array<i64: 2, 16>, scalar_prefetch = 0 : i64, scratch_operands = 7 : i64, tpu.core_type = #tpu.core_type<sc_vector_subcore>, window_params = [{transform_indices = #map}, {transform_indices = #map1}, {transform_indices = #map2}]} {
    %mul3A = arith.constant 2 : i32
    %mul3A_0 = arith.muli %arg1, %mul3A : i32
    %add3A = arith.addi %mul3A_0, %arg0 : i32
    %broadcast_in_dim3A = arith.constant 1.000000e+00 : f32
    %broadcast_in_dim3A_1 = vector.broadcast %broadcast_in_dim3A : f32 to vector<16xf32>
    %swap3A = arith.constant 0 : index
    %swap3A_2 = tpu.vector_load %arg7[%swap3A] {strides = array<i32>} : memref<128xf32, #tpu.memory_space<vmem>>, vector<16xf32>,
    %swap3A_3 = vector.shape_cast %swap3A_2 : vector<16xf32> to vector<16xf32>
    %swap3A_4 = vector.shape_cast %broadcast_in_dim3A_1 : vector<16xf32> to vector<16xf32>
    tpu.vector_store %arg7[%swap3A], %swap3A_4 {strides = array<i32>} : memref<128xf32, #tpu.memory_space<vmem>>, vector<16xf32>,
    %broadcast_in_dim3A_5 = arith.constant 1.000000e+00 : f32
    %broadcast_in_dim3A_6 = vector.broadcast %broadcast_in_dim3A_5 : f32 to vector<16xf32>
    %swap3A_7 = arith.constant 16 : index
    %swap3A_8 = tpu.vector_load %arg7[%swap3A_7] {strides = array<i32>} : memref<128xf32, #tpu.memory_space<vmem>>, vector<16xf32>,
    %swap3A_9 = vector.shape_cast %swap3A_8 : vector<16xf32> to vector<16xf32>
    %swap3A_10 = vector.shape_cast %broadcast_in_dim3A_6 : vector<16xf32> to vector<16xf32>
    tpu.vector_store %arg7[%swap3A_7], %swap3A_10 {strides = array<i32>} : memref<128xf32, #tpu.memory_space<vmem>>, vector<16xf32>,
    %broadcast_in_dim3A_11 = arith.constant 1.000000e+00 : f32
    %broadcast_in_dim3A_12 = vector.broadcast %broadcast_in_dim3A_11 : f32 to vector<16xf32>
    %swap3A_13 = arith.constant 32 : index
    %swap3A_14 = tpu.vector_load %arg7[%swap3A_13] {strides = array<i32>} : memref<128xf32, #tpu.memory_space<vmem>>, vector<16xf32>,
    %swap3A_15 = vector.shape_cast %swap3A_14 : vector<16xf32> to vector<16xf32>
    %swap3A_16 = vector.shape_cast %broadcast_in_dim3A_12 : vector<16xf32> to vector<16xf32>
    tpu.vector_store %arg7[%swap3A_13], %swap3A_16 {strides = array<i32>} : memref<128xf32, #tpu.memory_space<vmem>>, vector<16xf32>,
    %broadcast_in_dim3A_17 = arith.constant 1.000000e+00 : f32
    %broadcast_in_dim3A_18 = vector.broadcast %broadcast_in_dim3A_17 : f32 to vector<16xf32>
    %swap3A_19 = arith.constant 48 : index
    %swap3A_20 = tpu.vector_load %arg7[%swap3A_19] {strides = array<i32>} : memref<128xf32, #tpu.memory_space<vmem>>, vector<16xf32>,
    %swap3A_21 = vector.shape_cast %swap3A_20 : vector<16xf32> to vector<16xf32>
    %swap3A_22 = vector.shape_cast %broadcast_in_dim3A_18 : vector<16xf32> to vector<16xf32>
    tpu.vector_store %arg7[%swap3A_19], %swap3A_22 {strides = array<i32>} : memref<128xf32, #tpu.memory_space<vmem>>, vector<16xf32>,
    %broadcast_in_dim3A_23 = arith.constant 1.000000e+00 : f32
    %broadcast_in_dim3A_24 = vector.broadcast %broadcast_in_dim3A_23 : f32 to vector<16xf32>
    %swap3A_25 = arith.constant 64 : index
    %swap3A_26 = tpu.vector_load %arg7[%swap3A_25] {strides = array<i32>} : memref<128xf32, #tpu.memory_space<vmem>>, vector<16xf32>,
    %swap3A_27 = vector.shape_cast %swap3A_26 : vector<16xf32> to vector<16xf32>
    %swap3A_28 = vector.shape_cast %broadcast_in_dim3A_24 : vector<16xf32> to vector<16xf32>
    tpu.vector_store %arg7[%swap3A_25], %swap3A_28 {strides = array<i32>} : memref<128xf32, #tpu.memory_space<vmem>>, vector<16xf32>,
    %broadcast_in_dim3A_29 = arith.constant 1.000000e+00 : f32
    %broadcast_in_dim3A_30 = vector.broadcast %broadcast_in_dim3A_29 : f32 to vector<16xf32>
    %swap3A_31 = arith.constant 80 : index
    %swap3A_32 = tpu.vector_load %arg7[%swap3A_31] {strides = array<i32>} : memref<128xf32, #tpu.memory_space<vmem>>, vector<16xf32>,
    %swap3A_33 = vector.shape_cast %swap3A_32 : vector<16xf32> to vector<16xf32>
    %swap3A_34 = vector.shape_cast %broadcast_in_dim3A_30 : vector<16xf32> to vector<16xf32>
    tpu.vector_store %arg7[%swap3A_31], %swap3A_34 {strides = array<i32>} : memref<128xf32, #tpu.memory_space<vmem>>, vector<16xf32>,
    %broadcast_in_dim3A_35 = arith.constant 1.000000e+00 : f32
    %broadcast_in_dim3A_36 = vector.broadcast %broadcast_in_dim3A_35 : f32 to vector<16xf32>
    %swap3A_37 = arith.constant 96 : index
    %swap3A_38 = tpu.vector_load %arg7[%swap3A_37] {strides = array<i32>} : memref<128xf32, #tpu.memory_space<vmem>>, vector<16xf32>,
    %swap3A_39 = vector.shape_cast %swap3A_38 : vector<16xf32> to vector<16xf32>
    %swap3A_40 = vector.shape_cast %broadcast_in_dim3A_36 : vector<16xf32> to vector<16xf32>
    tpu.vector_store %arg7[%swap3A_37], %swap3A_40 {strides = array<i32>} : memref<128xf32, #tpu.memory_space<vmem>>, vector<16xf32>,
    %broadcast_in_dim3A_41 = arith.constant 1.000000e+00 : f32
    %broadcast_in_dim3A_42 = vector.broadcast %broadcast_in_dim3A_41 : f32 to vector<16xf32>
    %swap3A_43 = arith.constant 112 : index
    %swap3A_44 = tpu.vector_load %arg7[%swap3A_43] {strides = array<i32>} : memref<128xf32, #tpu.memory_space<vmem>>, vector<16xf32>,
    %swap3A_45 = vector.shape_cast %swap3A_44 : vector<16xf32> to vector<16xf32>
    %swap3A_46 = vector.shape_cast %broadcast_in_dim3A_42 : vector<16xf32> to vector<16xf32>
    tpu.vector_store %arg7[%swap3A_43], %swap3A_46 {strides = array<i32>} : memref<128xf32, #tpu.memory_space<vmem>>, vector<16xf32>,
    %eq3A = arith.constant 0 : i32
    %eq3A_47 = arith.cmpi eq, %arg1, %eq3A : i32
    %convert_element_type3A = arith.extui %eq3A_47 : i1 to i32
    %cond3A = arith.constant 0 : i32
    %cond3A_48 = arith.cmpi ne, %convert_element_type3A, %cond3A : i32
    scf.if %cond3A_48 {
      "tpu.region"() ({
        %run_scoped3A_60 = tpu.sem_alloc : memref<!tpu.dma_semaphore, #tpu.memory_space<semaphore_mem>>
        tpu.enqueue_dma source(%arg3 : memref<10240xf32, #tpu.memory_space<hbm>>) target(%arg8 : memref<10240xf32, #tpu.memory_space<vmem_shared>>) target_semaphore(%run_scoped3A_60 : memref<!tpu.dma_semaphore, #tpu.memory_space<semaphore_mem>>)
        tpu.wait_dma2 semaphore(%run_scoped3A_60 : memref<!tpu.dma_semaphore, #tpu.memory_space<semaphore_mem>>) src(%arg3 : memref<10240xf32, #tpu.memory_space<hbm>>) dst(%arg8 : memref<10240xf32, #tpu.memory_space<vmem_shared>>)
        tpu.yield
      }) : () -> ()
      "tpu.region"() ({
        %run_scoped3A_60 = tpu.sem_alloc : memref<!tpu.dma_semaphore, #tpu.memory_space<semaphore_mem>>
        tpu.enqueue_dma source(%arg3 : memref<10240xf32, #tpu.memory_space<hbm>>) target(%arg9 : memref<10240xf32, #tpu.memory_space<vmem_shared>>) target_semaphore(%run_scoped3A_60 : memref<!tpu.dma_semaphore, #tpu.memory_space<semaphore_mem>>)
        tpu.wait_dma2 semaphore(%run_scoped3A_60 : memref<!tpu.dma_semaphore, #tpu.memory_space<semaphore_mem>>) src(%arg3 : memref<10240xf32, #tpu.memory_space<hbm>>) dst(%arg9 : memref<10240xf32, #tpu.memory_space<vmem_shared>>)
        tpu.yield
      }) : () -> ()
    } else {
    }
    %run_scoped3A = arith.constant 0 : i32
    "tpu.region"() ({
      %run_scoped3A_60 = tpu.sem_alloc : memref<!tpu.dma_semaphore, #tpu.memory_space<semaphore_mem>>
      %dma_start3A = arith.constant 0 : i32
      %dma_start3A_61 = arith.constant 0 : i32
      %dma_start3A_62 = tpu.memref_slice %arg2[%run_scoped3A, %add3A, %dma_start3A, %dma_start3A_61] : memref<2x32x80x128xi32, #tpu.memory_space<hbm>> -> memref<1x1x80x128xi32, #tpu.memory_space<hbm>>
      %dma_start3A_63 = tpu.memref_squeeze %dma_start3A_62 : memref<1x1x80x128xi32, #tpu.memory_space<hbm>> -> memref<80x128xi32, #tpu.memory_space<hbm>>
      %dma_start3A_64 = arith.constant 0 : i32
      %dma_start3A_65 = arith.constant 0 : i32
      %dma_start3A_66 = tpu.memref_slice %arg2[%run_scoped3A, %add3A, %dma_start3A_64, %dma_start3A_65] : memref<2x32x80x128xi32, #tpu.memory_space<hbm>> -> memref<1x1x80x128xi32, #tpu.memory_space<hbm>>
      %dma_start3A_67 = tpu.memref_squeeze %dma_start3A_66 : memref<1x1x80x128xi32, #tpu.memory_space<hbm>> -> memref<80x128xi32, #tpu.memory_space<hbm>>
      tpu.enqueue_dma source(%dma_start3A_67 : memref<80x128xi32, #tpu.memory_space<hbm>>) target(%arg5 : memref<80x128xi32, #tpu.memory_space<vmem>>) target_semaphore(%run_scoped3A_60 : memref<!tpu.dma_semaphore, #tpu.memory_space<semaphore_mem>>)
      %dma_wait3A = arith.constant 0 : i32
      %dma_wait3A_68 = arith.constant 0 : i32
      %dma_wait3A_69 = tpu.memref_slice %arg2[%run_scoped3A, %add3A, %dma_wait3A, %dma_wait3A_68] : memref<2x32x80x128xi32, #tpu.memory_space<hbm>> -> memref<1x1x80x128xi32, #tpu.memory_space<hbm>>
      %dma_wait3A_70 = tpu.memref_squeeze %dma_wait3A_69 : memref<1x1x80x128xi32, #tpu.memory_space<hbm>> -> memref<80x128xi32, #tpu.memory_space<hbm>>
      %dma_wait3A_71 = arith.constant 0 : i32
      %dma_wait3A_72 = arith.constant 0 : i32
      %dma_wait3A_73 = tpu.memref_slice %arg2[%run_scoped3A, %add3A, %dma_wait3A_71, %dma_wait3A_72] : memref<2x32x80x128xi32, #tpu.memory_space<hbm>> -> memref<1x1x80x128xi32, #tpu.memory_space<hbm>>
      %dma_wait3A_74 = tpu.memref_squeeze %dma_wait3A_73 : memref<1x1x80x128xi32, #tpu.memory_space<hbm>> -> memref<80x128xi32, #tpu.memory_space<hbm>>
      tpu.wait_dma2 semaphore(%run_scoped3A_60 : memref<!tpu.dma_semaphore, #tpu.memory_space<semaphore_mem>>) src(%dma_wait3A_74 : memref<80x128xi32, #tpu.memory_space<hbm>>) dst(%arg5 : memref<80x128xi32, #tpu.memory_space<vmem>>)
      tpu.yield
    }) : () -> ()
    %run_scoped3A_49 = arith.constant 1 : i32
    "tpu.region"() ({
      %run_scoped3A_60 = tpu.sem_alloc : memref<!tpu.dma_semaphore, #tpu.memory_space<semaphore_mem>>
      %dma_start3A = arith.constant 0 : i32
      %dma_start3A_61 = arith.constant 0 : i32
      %dma_start3A_62 = tpu.memref_slice %arg2[%run_scoped3A_49, %add3A, %dma_start3A, %dma_start3A_61] : memref<2x32x80x128xi32, #tpu.memory_space<hbm>> -> memref<1x1x80x128xi32, #tpu.memory_space<hbm>>
      %dma_start3A_63 = tpu.memref_squeeze %dma_start3A_62 : memref<1x1x80x128xi32, #tpu.memory_space<hbm>> -> memref<80x128xi32, #tpu.memory_space<hbm>>
      %dma_start3A_64 = arith.constant 0 : i32
      %dma_start3A_65 = arith.constant 0 : i32
      %dma_start3A_66 = tpu.memref_slice %arg2[%run_scoped3A_49, %add3A, %dma_start3A_64, %dma_start3A_65] : memref<2x32x80x128xi32, #tpu.memory_space<hbm>> -> memref<1x1x80x128xi32, #tpu.memory_space<hbm>>
      %dma_start3A_67 = tpu.memref_squeeze %dma_start3A_66 : memref<1x1x80x128xi32, #tpu.memory_space<hbm>> -> memref<80x128xi32, #tpu.memory_space<hbm>>
      tpu.enqueue_dma source(%dma_start3A_67 : memref<80x128xi32, #tpu.memory_space<hbm>>) target(%arg6 : memref<80x128xi32, #tpu.memory_space<vmem>>) target_semaphore(%run_scoped3A_60 : memref<!tpu.dma_semaphore, #tpu.memory_space<semaphore_mem>>)
      %dma_wait3A = arith.constant 0 : i32
      %dma_wait3A_68 = arith.constant 0 : i32
      %dma_wait3A_69 = tpu.memref_slice %arg2[%run_scoped3A_49, %add3A, %dma_wait3A, %dma_wait3A_68] : memref<2x32x80x128xi32, #tpu.memory_space<hbm>> -> memref<1x1x80x128xi32, #tpu.memory_space<hbm>>
      %dma_wait3A_70 = tpu.memref_squeeze %dma_wait3A_69 : memref<1x1x80x128xi32, #tpu.memory_space<hbm>> -> memref<80x128xi32, #tpu.memory_space<hbm>>
      %dma_wait3A_71 = arith.constant 0 : i32
      %dma_wait3A_72 = arith.constant 0 : i32
      %dma_wait3A_73 = tpu.memref_slice %arg2[%run_scoped3A_49, %add3A, %dma_wait3A_71, %dma_wait3A_72] : memref<2x32x80x128xi32, #tpu.memory_space<hbm>> -> memref<1x1x80x128xi32, #tpu.memory_space<hbm>>
      %dma_wait3A_74 = tpu.memref_squeeze %dma_wait3A_73 : memref<1x1x80x128xi32, #tpu.memory_space<hbm>> -> memref<80x128xi32, #tpu.memory_space<hbm>>
      tpu.wait_dma2 semaphore(%run_scoped3A_60 : memref<!tpu.dma_semaphore, #tpu.memory_space<semaphore_mem>>) src(%dma_wait3A_74 : memref<80x128xi32, #tpu.memory_space<hbm>>) dst(%arg6 : memref<80x128xi32, #tpu.memory_space<vmem>>)
      tpu.yield
    }) : () -> ()
    %barrier3A = arith.constant 0 : index
    tpu.barrier barrier_id(%barrier3A)
    %scan3A = arith.constant 0 : i32
    %scan3A_50 = arith.constant 80 : i32
    %scan3A_51 = arith.addi %scan3A, %scan3A_50 : i32
    %scan3A_52 = arith.constant 1 : i32
    scf.for %scan3A_60 = %scan3A to %scan3A_51 step %scan3A_52  : i32 {
      %mul3A_61 = arith.constant 1 : i32
      %mul3A_62 = arith.muli %scan3A_60, %mul3A_61 : i32
      %add3A_63 = arith.constant 0 : i32
      %add3A_64 = arith.addi %add3A_63, %mul3A_62 : i32
      %dma_start3A = arith.constant 0 : i32
      %dma_start3A_65 = tpu.memref_slice %arg5[%add3A_64, %dma_start3A] : memref<80x128xi32, #tpu.memory_space<vmem>> -> memref<1x128xi32, #tpu.memory_space<vmem>>
      %dma_start3A_66 = tpu.memref_squeeze %dma_start3A_65 : memref<1x128xi32, #tpu.memory_space<vmem>> -> memref<128xi32, #tpu.memory_space<vmem>>
      %dma_start3A_67 = arith.constant 0 : i32
      %dma_start3A_68 = tpu.memref_slice %arg8[%dma_start3A_67] : memref<10240xf32, #tpu.memory_space<vmem_shared>> -> memref<10240xf32, #tpu.memory_space<vmem_shared>>
      tpu.enqueue_indirect_dma source(%arg7 : memref<128xf32, #tpu.memory_space<vmem>>) target(%dma_start3A_68 : memref<10240xf32, #tpu.memory_space<vmem_shared>>) offsets(%dma_start3A_66 : memref<128xi32, #tpu.memory_space<vmem>>) semaphore(%arg10 : memref<!tpu.dma_semaphore, #tpu.memory_space<semaphore_mem>>) {add = true}
      %dma_start3A_69 = arith.constant 0 : i32
      %dma_start3A_70 = tpu.memref_slice %arg6[%add3A_64, %dma_start3A_69] : memref<80x128xi32, #tpu.memory_space<vmem>> -> memref<1x128xi32, #tpu.memory_space<vmem>>
      %dma_start3A_71 = tpu.memref_squeeze %dma_start3A_70 : memref<1x128xi32, #tpu.memory_space<vmem>> -> memref<128xi32, #tpu.memory_space<vmem>>
      %dma_start3A_72 = arith.constant 0 : i32
      %dma_start3A_73 = tpu.memref_slice %arg9[%dma_start3A_72] : memref<10240xf32, #tpu.memory_space<vmem_shared>> -> memref<10240xf32, #tpu.memory_space<vmem_shared>>
      tpu.enqueue_indirect_dma source(%arg7 : memref<128xf32, #tpu.memory_space<vmem>>) target(%dma_start3A_73 : memref<10240xf32, #tpu.memory_space<vmem_shared>>) offsets(%dma_start3A_71 : memref<128xi32, #tpu.memory_space<vmem>>) semaphore(%arg11 : memref<!tpu.dma_semaphore, #tpu.memory_space<semaphore_mem>>) {add = true}
      %dma_wait3A = arith.constant 0 : i32
      %dma_wait3A_74 = tpu.memref_slice %arg5[%add3A_64, %dma_wait3A] : memref<80x128xi32, #tpu.memory_space<vmem>> -> memref<1x128xi32, #tpu.memory_space<vmem>>
      %dma_wait3A_75 = tpu.memref_squeeze %dma_wait3A_74 : memref<1x128xi32, #tpu.memory_space<vmem>> -> memref<128xi32, #tpu.memory_space<vmem>>
      %dma_wait3A_76 = arith.constant 0 : i32
      %dma_wait3A_77 = tpu.memref_slice %arg8[%dma_wait3A_76] : memref<10240xf32, #tpu.memory_space<vmem_shared>> -> memref<10240xf32, #tpu.memory_space<vmem_shared>>
      tpu.wait_indirect_dma semaphore(%arg10 : memref<!tpu.dma_semaphore, #tpu.memory_space<semaphore_mem>>) src(%arg7 : memref<128xf32, #tpu.memory_space<vmem>>) dst(%dma_wait3A_77 : memref<10240xf32, #tpu.memory_space<vmem_shared>>)
      %dma_wait3A_78 = arith.constant 0 : i32
      %dma_wait3A_79 = tpu.memref_slice %arg6[%add3A_64, %dma_wait3A_78] : memref<80x128xi32, #tpu.memory_space<vmem>> -> memref<1x128xi32, #tpu.memory_space<vmem>>
      %dma_wait3A_80 = tpu.memref_squeeze %dma_wait3A_79 : memref<1x128xi32, #tpu.memory_space<vmem>> -> memref<128xi32, #tpu.memory_space<vmem>>
      %dma_wait3A_81 = arith.constant 0 : i32
      %dma_wait3A_82 = tpu.memref_slice %arg9[%dma_wait3A_81] : memref<10240xf32, #tpu.memory_space<vmem_shared>> -> memref<10240xf32, #tpu.memory_space<vmem_shared>>
      tpu.wait_indirect_dma semaphore(%arg11 : memref<!tpu.dma_semaphore, #tpu.memory_space<semaphore_mem>>) src(%arg7 : memref<128xf32, #tpu.memory_space<vmem>>) dst(%dma_wait3A_82 : memref<10240xf32, #tpu.memory_space<vmem_shared>>)
    }
    %scan3A_53 = arith.constant 80 : i32
    %barrier3A_54 = arith.constant 0 : index
    tpu.barrier barrier_id(%barrier3A_54)
    %eq3A_55 = arith.constant 0 : i32
    %eq3A_56 = arith.cmpi eq, %arg1, %eq3A_55 : i32
    %convert_element_type3A_57 = arith.extui %eq3A_56 : i1 to i32
    %cond3A_58 = arith.constant 0 : i32
    %cond3A_59 = arith.cmpi ne, %convert_element_type3A_57, %cond3A_58 : i32
    scf.if %cond3A_59 {
      %run_scoped3A_60 = arith.constant 0 : i32
      "tpu.region"() ({
        %run_scoped3A_62 = tpu.sem_alloc : memref<!tpu.dma_semaphore, #tpu.memory_space<semaphore_mem>>
        %dma_start3A = arith.constant 0 : i32
        %dma_start3A_63 = tpu.memref_slice %arg4[%arg0, %run_scoped3A_60, %dma_start3A] : memref<2x2x10240xf32, #tpu.memory_space<hbm>> -> memref<1x1x10240xf32, #tpu.memory_space<hbm>>
        %dma_start3A_64 = tpu.memref_squeeze %dma_start3A_63 : memref<1x1x10240xf32, #tpu.memory_space<hbm>> -> memref<10240xf32, #tpu.memory_space<hbm>>
        tpu.enqueue_dma source(%arg8 : memref<10240xf32, #tpu.memory_space<vmem_shared>>) target(%dma_start3A_64 : memref<10240xf32, #tpu.memory_space<hbm>>) target_semaphore(%run_scoped3A_62 : memref<!tpu.dma_semaphore, #tpu.memory_space<semaphore_mem>>)
        %dma_wait3A = arith.constant 0 : i32
        %dma_wait3A_65 = tpu.memref_slice %arg4[%arg0, %run_scoped3A_60, %dma_wait3A] : memref<2x2x10240xf32, #tpu.memory_space<hbm>> -> memref<1x1x10240xf32, #tpu.memory_space<hbm>>
        %dma_wait3A_66 = tpu.memref_squeeze %dma_wait3A_65 : memref<1x1x10240xf32, #tpu.memory_space<hbm>> -> memref<10240xf32, #tpu.memory_space<hbm>>
        tpu.wait_dma2 semaphore(%run_scoped3A_62 : memref<!tpu.dma_semaphore, #tpu.memory_space<semaphore_mem>>) src(%arg8 : memref<10240xf32, #tpu.memory_space<vmem_shared>>) dst(%dma_wait3A_66 : memref<10240xf32, #tpu.memory_space<hbm>>)
        tpu.yield
      }) : () -> ()
      %run_scoped3A_61 = arith.constant 1 : i32
      "tpu.region"() ({
        %run_scoped3A_62 = tpu.sem_alloc : memref<!tpu.dma_semaphore, #tpu.memory_space<semaphore_mem>>
        %dma_start3A = arith.constant 0 : i32
        %dma_start3A_63 = tpu.memref_slice %arg4[%arg0, %run_scoped3A_61, %dma_start3A] : memref<2x2x10240xf32, #tpu.memory_space<hbm>> -> memref<1x1x10240xf32, #tpu.memory_space<hbm>>
        %dma_start3A_64 = tpu.memref_squeeze %dma_start3A_63 : memref<1x1x10240xf32, #tpu.memory_space<hbm>> -> memref<10240xf32, #tpu.memory_space<hbm>>
        tpu.enqueue_dma source(%arg9 : memref<10240xf32, #tpu.memory_space<vmem_shared>>) target(%dma_start3A_64 : memref<10240xf32, #tpu.memory_space<hbm>>) target_semaphore(%run_scoped3A_62 : memref<!tpu.dma_semaphore, #tpu.memory_space<semaphore_mem>>)
        %dma_wait3A = arith.constant 0 : i32
        %dma_wait3A_65 = tpu.memref_slice %arg4[%arg0, %run_scoped3A_61, %dma_wait3A] : memref<2x2x10240xf32, #tpu.memory_space<hbm>> -> memref<1x1x10240xf32, #tpu.memory_space<hbm>>
        %dma_wait3A_66 = tpu.memref_squeeze %dma_wait3A_65 : memref<1x1x10240xf32, #tpu.memory_space<hbm>> -> memref<10240xf32, #tpu.memory_space<hbm>>
        tpu.wait_dma2 semaphore(%run_scoped3A_62 : memref<!tpu.dma_semaphore, #tpu.memory_space<semaphore_mem>>) src(%arg9 : memref<10240xf32, #tpu.memory_space<vmem_shared>>) dst(%dma_wait3A_66 : memref<10240xf32, #tpu.memory_space<hbm>>)
        tpu.yield
      }) : () -> ()
    } else {
    }
    return
  }
}

#map = affine_map<(d0, d1) -> (0, 0)>
#map1 = affine_map<(d0, d1) -> (0, 0, 0, 0)>
#map2 = affine_map<(d0, d1) -> (0, 0, 0)>
module attributes {stable_mosaic.version = 14 : i64} {
  func.func @_sc_agg_body(%arg0: i32, %arg1: i32, %arg2: memref<10240x128xf32, #tpu.memory_space<hbm>>, %arg3: memref<2x32x80x128xi32, #tpu.memory_space<hbm>>, %arg4: memref<640x128xf32, #tpu.memory_space<hbm>>, %arg5: memref<2x10240x128xf32, #tpu.memory_space<hbm>>, %arg6: memref<40x128xi32, #tpu.memory_space<vmem>>, %arg7: memref<40x128xi32, #tpu.memory_space<vmem>>, %arg8: memref<2x128x128xf32, #tpu.memory_space<vmem>>, %arg9: memref<10240x128xf32, #tpu.memory_space<vmem_shared>>, %arg10: memref<!tpu.dma_semaphore, #tpu.memory_space<semaphore_mem>>, %arg11: memref<!tpu.dma_semaphore, #tpu.memory_space<semaphore_mem>>) attributes {dimension_semantics = [#tpu.dimension_semantics<core_parallel>, #tpu.dimension_semantics<subcore_parallel>], iteration_bounds = array<i64: 2, 16>, scalar_prefetch = 0 : i64, scratch_operands = 6 : i64, tpu.core_type = #tpu.core_type<sc_vector_subcore>, window_params = [{transform_indices = #map}, {transform_indices = #map1}, {transform_indices = #map}, {transform_indices = #map2}]} {
    %mul3A = arith.constant 2 : i32
    %mul3A_0 = arith.muli %arg1, %mul3A : i32
    %add3A = arith.addi %mul3A_0, %arg0 : i32
    %mul3A_1 = arith.constant 640 : i32
    %mul3A_2 = arith.muli %arg1, %mul3A_1 : i32
    "tpu.region"() ({
      %run_scoped3A_114 = tpu.sem_alloc : memref<!tpu.dma_semaphore, #tpu.memory_space<semaphore_mem>>
      %dma_start3A_115 = arith.constant 0 : i32
      %dma_start3A_116 = tpu.memref_slice %arg9[%mul3A_2, %dma_start3A_115] : memref<10240x128xf32, #tpu.memory_space<vmem_shared>> -> memref<640x128xf32, #tpu.memory_space<vmem_shared>>
      tpu.enqueue_dma source(%arg4 : memref<640x128xf32, #tpu.memory_space<hbm>>) target(%dma_start3A_116 : memref<640x128xf32, #tpu.memory_space<vmem_shared>>) target_semaphore(%run_scoped3A_114 : memref<!tpu.dma_semaphore, #tpu.memory_space<semaphore_mem>>)
      %dma_wait3A_117 = arith.constant 0 : i32
      %dma_wait3A_118 = tpu.memref_slice %arg9[%mul3A_2, %dma_wait3A_117] : memref<10240x128xf32, #tpu.memory_space<vmem_shared>> -> memref<640x128xf32, #tpu.memory_space<vmem_shared>>
      tpu.wait_dma2 semaphore(%run_scoped3A_114 : memref<!tpu.dma_semaphore, #tpu.memory_space<semaphore_mem>>) src(%arg4 : memref<640x128xf32, #tpu.memory_space<hbm>>) dst(%dma_wait3A_118 : memref<640x128xf32, #tpu.memory_space<vmem_shared>>)
      tpu.yield
    }) : () -> ()
    %barrier3A = arith.constant 0 : index
    tpu.barrier barrier_id(%barrier3A)
    %run_scoped3A = arith.constant 0 : i32
    "tpu.region"() ({
      %run_scoped3A_114 = tpu.sem_alloc : memref<!tpu.dma_semaphore, #tpu.memory_space<semaphore_mem>>
      %dma_start3A_115 = arith.constant 0 : i32
      %dma_start3A_116 = arith.constant 0 : i32
      %dma_start3A_117 = tpu.memref_slice %arg3[%run_scoped3A, %add3A, %dma_start3A_115, %dma_start3A_116] : memref<2x32x80x128xi32, #tpu.memory_space<hbm>> -> memref<1x1x40x128xi32, #tpu.memory_space<hbm>>
      %dma_start3A_118 = tpu.memref_squeeze %dma_start3A_117 : memref<1x1x40x128xi32, #tpu.memory_space<hbm>> -> memref<40x128xi32, #tpu.memory_space<hbm>>
      %dma_start3A_119 = arith.constant 0 : i32
      %dma_start3A_120 = arith.constant 0 : i32
      %dma_start3A_121 = tpu.memref_slice %arg3[%run_scoped3A, %add3A, %dma_start3A_119, %dma_start3A_120] : memref<2x32x80x128xi32, #tpu.memory_space<hbm>> -> memref<1x1x40x128xi32, #tpu.memory_space<hbm>>
      %dma_start3A_122 = tpu.memref_squeeze %dma_start3A_121 : memref<1x1x40x128xi32, #tpu.memory_space<hbm>> -> memref<40x128xi32, #tpu.memory_space<hbm>>
      tpu.enqueue_dma source(%dma_start3A_122 : memref<40x128xi32, #tpu.memory_space<hbm>>) target(%arg6 : memref<40x128xi32, #tpu.memory_space<vmem>>) target_semaphore(%run_scoped3A_114 : memref<!tpu.dma_semaphore, #tpu.memory_space<semaphore_mem>>)
      %dma_wait3A_123 = arith.constant 0 : i32
      %dma_wait3A_124 = arith.constant 0 : i32
      %dma_wait3A_125 = tpu.memref_slice %arg3[%run_scoped3A, %add3A, %dma_wait3A_123, %dma_wait3A_124] : memref<2x32x80x128xi32, #tpu.memory_space<hbm>> -> memref<1x1x40x128xi32, #tpu.memory_space<hbm>>
      %dma_wait3A_126 = tpu.memref_squeeze %dma_wait3A_125 : memref<1x1x40x128xi32, #tpu.memory_space<hbm>> -> memref<40x128xi32, #tpu.memory_space<hbm>>
      %dma_wait3A_127 = arith.constant 0 : i32
      %dma_wait3A_128 = arith.constant 0 : i32
      %dma_wait3A_129 = tpu.memref_slice %arg3[%run_scoped3A, %add3A, %dma_wait3A_127, %dma_wait3A_128] : memref<2x32x80x128xi32, #tpu.memory_space<hbm>> -> memref<1x1x40x128xi32, #tpu.memory_space<hbm>>
      %dma_wait3A_130 = tpu.memref_squeeze %dma_wait3A_129 : memref<1x1x40x128xi32, #tpu.memory_space<hbm>> -> memref<40x128xi32, #tpu.memory_space<hbm>>
      tpu.wait_dma2 semaphore(%run_scoped3A_114 : memref<!tpu.dma_semaphore, #tpu.memory_space<semaphore_mem>>) src(%dma_wait3A_130 : memref<40x128xi32, #tpu.memory_space<hbm>>) dst(%arg6 : memref<40x128xi32, #tpu.memory_space<vmem>>)
      tpu.yield
    }) : () -> ()
    %run_scoped3A_3 = arith.constant 1 : i32
    "tpu.region"() ({
      %run_scoped3A_114 = tpu.sem_alloc : memref<!tpu.dma_semaphore, #tpu.memory_space<semaphore_mem>>
      %dma_start3A_115 = arith.constant 0 : i32
      %dma_start3A_116 = arith.constant 0 : i32
      %dma_start3A_117 = tpu.memref_slice %arg3[%run_scoped3A_3, %add3A, %dma_start3A_115, %dma_start3A_116] : memref<2x32x80x128xi32, #tpu.memory_space<hbm>> -> memref<1x1x40x128xi32, #tpu.memory_space<hbm>>
      %dma_start3A_118 = tpu.memref_squeeze %dma_start3A_117 : memref<1x1x40x128xi32, #tpu.memory_space<hbm>> -> memref<40x128xi32, #tpu.memory_space<hbm>>
      %dma_start3A_119 = arith.constant 0 : i32
      %dma_start3A_120 = arith.constant 0 : i32
      %dma_start3A_121 = tpu.memref_slice %arg3[%run_scoped3A_3, %add3A, %dma_start3A_119, %dma_start3A_120] : memref<2x32x80x128xi32, #tpu.memory_space<hbm>> -> memref<1x1x40x128xi32, #tpu.memory_space<hbm>>
      %dma_start3A_122 = tpu.memref_squeeze %dma_start3A_121 : memref<1x1x40x128xi32, #tpu.memory_space<hbm>> -> memref<40x128xi32, #tpu.memory_space<hbm>>
      tpu.enqueue_dma source(%dma_start3A_122 : memref<40x128xi32, #tpu.memory_space<hbm>>) target(%arg7 : memref<40x128xi32, #tpu.memory_space<vmem>>) target_semaphore(%run_scoped3A_114 : memref<!tpu.dma_semaphore, #tpu.memory_space<semaphore_mem>>)
      %dma_wait3A_123 = arith.constant 0 : i32
      %dma_wait3A_124 = arith.constant 0 : i32
      %dma_wait3A_125 = tpu.memref_slice %arg3[%run_scoped3A_3, %add3A, %dma_wait3A_123, %dma_wait3A_124] : memref<2x32x80x128xi32, #tpu.memory_space<hbm>> -> memref<1x1x40x128xi32, #tpu.memory_space<hbm>>
      %dma_wait3A_126 = tpu.memref_squeeze %dma_wait3A_125 : memref<1x1x40x128xi32, #tpu.memory_space<hbm>> -> memref<40x128xi32, #tpu.memory_space<hbm>>
      %dma_wait3A_127 = arith.constant 0 : i32
      %dma_wait3A_128 = arith.constant 0 : i32
      %dma_wait3A_129 = tpu.memref_slice %arg3[%run_scoped3A_3, %add3A, %dma_wait3A_127, %dma_wait3A_128] : memref<2x32x80x128xi32, #tpu.memory_space<hbm>> -> memref<1x1x40x128xi32, #tpu.memory_space<hbm>>
      %dma_wait3A_130 = tpu.memref_squeeze %dma_wait3A_129 : memref<1x1x40x128xi32, #tpu.memory_space<hbm>> -> memref<40x128xi32, #tpu.memory_space<hbm>>
      tpu.wait_dma2 semaphore(%run_scoped3A_114 : memref<!tpu.dma_semaphore, #tpu.memory_space<semaphore_mem>>) src(%dma_wait3A_130 : memref<40x128xi32, #tpu.memory_space<hbm>>) dst(%arg7 : memref<40x128xi32, #tpu.memory_space<vmem>>)
      tpu.yield
    }) : () -> ()
    %dma_start3A = arith.constant 0 : i32
    %dma_start3A_4 = arith.constant 0 : i32
    %dma_start3A_5 = arith.constant 0 : i32
    %dma_start3A_6 = arith.constant 0 : i32
    %dma_start3A_7 = tpu.memref_slice %arg8[%dma_start3A_4, %dma_start3A_5, %dma_start3A_6] : memref<2x128x128xf32, #tpu.memory_space<vmem>> -> memref<1x128x128xf32, #tpu.memory_space<vmem>>
    %dma_start3A_8 = tpu.memref_squeeze %dma_start3A_7 : memref<1x128x128xf32, #tpu.memory_space<vmem>> -> memref<128x128xf32, #tpu.memory_space<vmem>>
    %dma_start3A_9 = arith.constant 0 : i32
    %dma_start3A_10 = tpu.memref_slice %arg6[%dma_start3A, %dma_start3A_9] : memref<40x128xi32, #tpu.memory_space<vmem>> -> memref<1x128xi32, #tpu.memory_space<vmem>>
    %dma_start3A_11 = tpu.memref_squeeze %dma_start3A_10 : memref<1x128xi32, #tpu.memory_space<vmem>> -> memref<128xi32, #tpu.memory_space<vmem>>
    %dma_start3A_12 = arith.constant 0 : i32
    %dma_start3A_13 = arith.constant 0 : i32
    %dma_start3A_14 = tpu.memref_slice %arg2[%dma_start3A_12, %dma_start3A_13] : memref<10240x128xf32, #tpu.memory_space<hbm>> -> memref<10240x128xf32, #tpu.memory_space<hbm>>
    tpu.enqueue_indirect_dma source(%dma_start3A_14 : memref<10240x128xf32, #tpu.memory_space<hbm>>) target(%dma_start3A_8 : memref<128x128xf32, #tpu.memory_space<vmem>>) offsets(%dma_start3A_11 : memref<128xi32, #tpu.memory_space<vmem>>) semaphore(%arg10 : memref<!tpu.dma_semaphore, #tpu.memory_space<semaphore_mem>>)
    %dma_wait3A = arith.constant 0 : i32
    %dma_wait3A_15 = arith.constant 0 : i32
    %dma_wait3A_16 = arith.constant 0 : i32
    %dma_wait3A_17 = arith.constant 0 : i32
    %dma_wait3A_18 = tpu.memref_slice %arg8[%dma_wait3A_15, %dma_wait3A_16, %dma_wait3A_17] : memref<2x128x128xf32, #tpu.memory_space<vmem>> -> memref<1x128x128xf32, #tpu.memory_space<vmem>>
    %dma_wait3A_19 = tpu.memref_squeeze %dma_wait3A_18 : memref<1x128x128xf32, #tpu.memory_space<vmem>> -> memref<128x128xf32, #tpu.memory_space<vmem>>
    %dma_wait3A_20 = arith.constant 0 : i32
    %dma_wait3A_21 = tpu.memref_slice %arg6[%dma_wait3A, %dma_wait3A_20] : memref<40x128xi32, #tpu.memory_space<vmem>> -> memref<1x128xi32, #tpu.memory_space<vmem>>
    %dma_wait3A_22 = tpu.memref_squeeze %dma_wait3A_21 : memref<1x128xi32, #tpu.memory_space<vmem>> -> memref<128xi32, #tpu.memory_space<vmem>>
    %dma_wait3A_23 = arith.constant 0 : i32
    %dma_wait3A_24 = arith.constant 0 : i32
    %dma_wait3A_25 = tpu.memref_slice %arg2[%dma_wait3A_23, %dma_wait3A_24] : memref<10240x128xf32, #tpu.memory_space<hbm>> -> memref<10240x128xf32, #tpu.memory_space<hbm>>
    tpu.wait_indirect_dma semaphore(%arg10 : memref<!tpu.dma_semaphore, #tpu.memory_space<semaphore_mem>>) src(%dma_wait3A_25 : memref<10240x128xf32, #tpu.memory_space<hbm>>) dst(%dma_wait3A_19 : memref<128x128xf32, #tpu.memory_space<vmem>>)
    %scan3A = arith.constant 0 : i32
    %scan3A_26 = arith.constant 39 : i32
    %scan3A_27 = arith.addi %scan3A, %scan3A_26 : i32
    %scan3A_28 = arith.constant 1 : i32
    scf.for %scan3A_114 = %scan3A to %scan3A_27 step %scan3A_28  : i32 {
      %mul3A_115 = arith.constant 1 : i32
      %mul3A_116 = arith.muli %scan3A_114, %mul3A_115 : i32
      %add3A_117 = arith.constant 0 : i32
      %add3A_118 = arith.addi %add3A_117, %mul3A_116 : i32
      %jit3A = arith.constant 2 : i32
      %eq3A = arith.constant 0 : i32
      %eq3A_119 = arith.cmpi eq, %jit3A, %eq3A : i32
      %jit3A_120 = arith.constant 1 : i32
      %select_n3A = arith.select %eq3A_119, %jit3A_120, %jit3A : i32
      %rem3A = arith.remsi %add3A_118, %select_n3A : i32
      %ne3A = arith.constant 0 : i32
      %ne3A_121 = arith.cmpi ne, %rem3A, %ne3A : i32
      %lt3A = arith.constant 0 : i32
      %lt3A_122 = arith.cmpi slt, %rem3A, %lt3A : i32
      %lt3A_123 = arith.constant 0 : i32
      %lt3A_124 = arith.cmpi slt, %select_n3A, %lt3A_123 : i32
      %ne3A_125 = arith.xori %lt3A_122, %lt3A_124 : i1
      %and3A = arith.andi %ne3A_125, %ne3A_121 : i1
      %add3A_126 = arith.addi %rem3A, %select_n3A : i32
      %select_n3A_127 = arith.select %and3A, %add3A_126, %rem3A : i32
      %add3A_128 = arith.constant 1 : i32
      %add3A_129 = arith.addi %add3A_118, %add3A_128 : i32
      %sub3A = arith.constant 1 : i32
      %sub3A_130 = arith.subi %sub3A, %select_n3A_127 : i32
      %dma_start3A_131 = arith.constant 0 : i32
      %dma_start3A_132 = arith.constant 0 : i32
      %dma_start3A_133 = tpu.memref_slice %arg8[%sub3A_130, %dma_start3A_131, %dma_start3A_132] : memref<2x128x128xf32, #tpu.memory_space<vmem>> -> memref<1x128x128xf32, #tpu.memory_space<vmem>>
      %dma_start3A_134 = tpu.memref_squeeze %dma_start3A_133 : memref<1x128x128xf32, #tpu.memory_space<vmem>> -> memref<128x128xf32, #tpu.memory_space<vmem>>
      %dma_start3A_135 = arith.constant 0 : i32
      %dma_start3A_136 = tpu.memref_slice %arg6[%add3A_129, %dma_start3A_135] : memref<40x128xi32, #tpu.memory_space<vmem>> -> memref<1x128xi32, #tpu.memory_space<vmem>>
      %dma_start3A_137 = tpu.memref_squeeze %dma_start3A_136 : memref<1x128xi32, #tpu.memory_space<vmem>> -> memref<128xi32, #tpu.memory_space<vmem>>
      %dma_start3A_138 = arith.constant 0 : i32
      %dma_start3A_139 = arith.constant 0 : i32
      %dma_start3A_140 = tpu.memref_slice %arg2[%dma_start3A_138, %dma_start3A_139] : memref<10240x128xf32, #tpu.memory_space<hbm>> -> memref<10240x128xf32, #tpu.memory_space<hbm>>
      tpu.enqueue_indirect_dma source(%dma_start3A_140 : memref<10240x128xf32, #tpu.memory_space<hbm>>) target(%dma_start3A_134 : memref<128x128xf32, #tpu.memory_space<vmem>>) offsets(%dma_start3A_137 : memref<128xi32, #tpu.memory_space<vmem>>) semaphore(%arg10 : memref<!tpu.dma_semaphore, #tpu.memory_space<semaphore_mem>>)
      %dma_start3A_141 = arith.constant 0 : i32
      %dma_start3A_142 = arith.constant 0 : i32
      %dma_start3A_143 = tpu.memref_slice %arg8[%select_n3A_127, %dma_start3A_141, %dma_start3A_142] : memref<2x128x128xf32, #tpu.memory_space<vmem>> -> memref<1x128x128xf32, #tpu.memory_space<vmem>>
      %dma_start3A_144 = tpu.memref_squeeze %dma_start3A_143 : memref<1x128x128xf32, #tpu.memory_space<vmem>> -> memref<128x128xf32, #tpu.memory_space<vmem>>
      %dma_start3A_145 = arith.constant 0 : i32
      %dma_start3A_146 = tpu.memref_slice %arg7[%add3A_118, %dma_start3A_145] : memref<40x128xi32, #tpu.memory_space<vmem>> -> memref<1x128xi32, #tpu.memory_space<vmem>>
      %dma_start3A_147 = tpu.memref_squeeze %dma_start3A_146 : memref<1x128xi32, #tpu.memory_space<vmem>> -> memref<128xi32, #tpu.memory_space<vmem>>
      %dma_start3A_148 = arith.constant 0 : i32
      %dma_start3A_149 = arith.constant 0 : i32
      %dma_start3A_150 = tpu.memref_slice %arg9[%dma_start3A_148, %dma_start3A_149] : memref<10240x128xf32, #tpu.memory_space<vmem_shared>> -> memref<10240x128xf32, #tpu.memory_space<vmem_shared>>
      tpu.enqueue_indirect_dma source(%dma_start3A_144 : memref<128x128xf32, #tpu.memory_space<vmem>>) target(%dma_start3A_150 : memref<10240x128xf32, #tpu.memory_space<vmem_shared>>) offsets(%dma_start3A_147 : memref<128xi32, #tpu.memory_space<vmem>>) semaphore(%arg11 : memref<!tpu.dma_semaphore, #tpu.memory_space<semaphore_mem>>) {add = true}
      %dma_wait3A_151 = arith.constant 0 : i32
      %dma_wait3A_152 = arith.constant 0 : i32
      %dma_wait3A_153 = tpu.memref_slice %arg8[%select_n3A_127, %dma_wait3A_151, %dma_wait3A_152] : memref<2x128x128xf32, #tpu.memory_space<vmem>> -> memref<1x128x128xf32, #tpu.memory_space<vmem>>
      %dma_wait3A_154 = tpu.memref_squeeze %dma_wait3A_153 : memref<1x128x128xf32, #tpu.memory_space<vmem>> -> memref<128x128xf32, #tpu.memory_space<vmem>>
      %dma_wait3A_155 = arith.constant 0 : i32
      %dma_wait3A_156 = tpu.memref_slice %arg7[%add3A_118, %dma_wait3A_155] : memref<40x128xi32, #tpu.memory_space<vmem>> -> memref<1x128xi32, #tpu.memory_space<vmem>>
      %dma_wait3A_157 = tpu.memref_squeeze %dma_wait3A_156 : memref<1x128xi32, #tpu.memory_space<vmem>> -> memref<128xi32, #tpu.memory_space<vmem>>
      %dma_wait3A_158 = arith.constant 0 : i32
      %dma_wait3A_159 = arith.constant 0 : i32
      %dma_wait3A_160 = tpu.memref_slice %arg9[%dma_wait3A_158, %dma_wait3A_159] : memref<10240x128xf32, #tpu.memory_space<vmem_shared>> -> memref<10240x128xf32, #tpu.memory_space<vmem_shared>>
      tpu.wait_indirect_dma semaphore(%arg11 : memref<!tpu.dma_semaphore, #tpu.memory_space<semaphore_mem>>) src(%dma_wait3A_154 : memref<128x128xf32, #tpu.memory_space<vmem>>) dst(%dma_wait3A_160 : memref<10240x128xf32, #tpu.memory_space<vmem_shared>>)
      %dma_wait3A_161 = arith.constant 0 : i32
      %dma_wait3A_162 = arith.constant 0 : i32
      %dma_wait3A_163 = tpu.memref_slice %arg8[%sub3A_130, %dma_wait3A_161, %dma_wait3A_162] : memref<2x128x128xf32, #tpu.memory_space<vmem>> -> memref<1x128x128xf32, #tpu.memory_space<vmem>>
      %dma_wait3A_164 = tpu.memref_squeeze %dma_wait3A_163 : memref<1x128x128xf32, #tpu.memory_space<vmem>> -> memref<128x128xf32, #tpu.memory_space<vmem>>
      %dma_wait3A_165 = arith.constant 0 : i32
      %dma_wait3A_166 = tpu.memref_slice %arg6[%add3A_129, %dma_wait3A_165] : memref<40x128xi32, #tpu.memory_space<vmem>> -> memref<1x128xi32, #tpu.memory_space<vmem>>
      %dma_wait3A_167 = tpu.memref_squeeze %dma_wait3A_166 : memref<1x128xi32, #tpu.memory_space<vmem>> -> memref<128xi32, #tpu.memory_space<vmem>>
      %dma_wait3A_168 = arith.constant 0 : i32
      %dma_wait3A_169 = arith.constant 0 : i32
      %dma_wait3A_170 = tpu.memref_slice %arg2[%dma_wait3A_168, %dma_wait3A_169] : memref<10240x128xf32, #tpu.memory_space<hbm>> -> memref<10240x128xf32, #tpu.memory_space<hbm>>
      tpu.wait_indirect_dma semaphore(%arg10 : memref<!tpu.dma_semaphore, #tpu.memory_space<semaphore_mem>>) src(%dma_wait3A_170 : memref<10240x128xf32, #tpu.memory_space<hbm>>) dst(%dma_wait3A_164 : memref<128x128xf32, #tpu.memory_space<vmem>>)
    }
    %scan3A_29 = arith.constant 39 : i32
    %dma_start3A_30 = arith.constant 1 : i32
    %dma_start3A_31 = arith.constant 39 : i32
    %dma_start3A_32 = arith.constant 0 : i32
    %dma_start3A_33 = arith.constant 0 : i32
    %dma_start3A_34 = tpu.memref_slice %arg8[%dma_start3A_30, %dma_start3A_32, %dma_start3A_33] : memref<2x128x128xf32, #tpu.memory_space<vmem>> -> memref<1x128x128xf32, #tpu.memory_space<vmem>>
    %dma_start3A_35 = tpu.memref_squeeze %dma_start3A_34 : memref<1x128x128xf32, #tpu.memory_space<vmem>> -> memref<128x128xf32, #tpu.memory_space<vmem>>
    %dma_start3A_36 = arith.constant 0 : i32
    %dma_start3A_37 = tpu.memref_slice %arg7[%dma_start3A_31, %dma_start3A_36] : memref<40x128xi32, #tpu.memory_space<vmem>> -> memref<1x128xi32, #tpu.memory_space<vmem>>
    %dma_start3A_38 = tpu.memref_squeeze %dma_start3A_37 : memref<1x128xi32, #tpu.memory_space<vmem>> -> memref<128xi32, #tpu.memory_space<vmem>>
    %dma_start3A_39 = arith.constant 0 : i32
    %dma_start3A_40 = arith.constant 0 : i32
    %dma_start3A_41 = tpu.memref_slice %arg9[%dma_start3A_39, %dma_start3A_40] : memref<10240x128xf32, #tpu.memory_space<vmem_shared>> -> memref<10240x128xf32, #tpu.memory_space<vmem_shared>>
    tpu.enqueue_indirect_dma source(%dma_start3A_35 : memref<128x128xf32, #tpu.memory_space<vmem>>) target(%dma_start3A_41 : memref<10240x128xf32, #tpu.memory_space<vmem_shared>>) offsets(%dma_start3A_38 : memref<128xi32, #tpu.memory_space<vmem>>) semaphore(%arg11 : memref<!tpu.dma_semaphore, #tpu.memory_space<semaphore_mem>>) {add = true}
    %dma_wait3A_42 = arith.constant 1 : i32
    %dma_wait3A_43 = arith.constant 39 : i32
    %dma_wait3A_44 = arith.constant 0 : i32
    %dma_wait3A_45 = arith.constant 0 : i32
    %dma_wait3A_46 = tpu.memref_slice %arg8[%dma_wait3A_42, %dma_wait3A_44, %dma_wait3A_45] : memref<2x128x128xf32, #tpu.memory_space<vmem>> -> memref<1x128x128xf32, #tpu.memory_space<vmem>>
    %dma_wait3A_47 = tpu.memref_squeeze %dma_wait3A_46 : memref<1x128x128xf32, #tpu.memory_space<vmem>> -> memref<128x128xf32, #tpu.memory_space<vmem>>
    %dma_wait3A_48 = arith.constant 0 : i32
    %dma_wait3A_49 = tpu.memref_slice %arg7[%dma_wait3A_43, %dma_wait3A_48] : memref<40x128xi32, #tpu.memory_space<vmem>> -> memref<1x128xi32, #tpu.memory_space<vmem>>
    %dma_wait3A_50 = tpu.memref_squeeze %dma_wait3A_49 : memref<1x128xi32, #tpu.memory_space<vmem>> -> memref<128xi32, #tpu.memory_space<vmem>>
    %dma_wait3A_51 = arith.constant 0 : i32
    %dma_wait3A_52 = arith.constant 0 : i32
    %dma_wait3A_53 = tpu.memref_slice %arg9[%dma_wait3A_51, %dma_wait3A_52] : memref<10240x128xf32, #tpu.memory_space<vmem_shared>> -> memref<10240x128xf32, #tpu.memory_space<vmem_shared>>
    tpu.wait_indirect_dma semaphore(%arg11 : memref<!tpu.dma_semaphore, #tpu.memory_space<semaphore_mem>>) src(%dma_wait3A_47 : memref<128x128xf32, #tpu.memory_space<vmem>>) dst(%dma_wait3A_53 : memref<10240x128xf32, #tpu.memory_space<vmem_shared>>)
    %run_scoped3A_54 = arith.constant 0 : i32
    "tpu.region"() ({
      %run_scoped3A_114 = tpu.sem_alloc : memref<!tpu.dma_semaphore, #tpu.memory_space<semaphore_mem>>
      %dma_start3A_115 = arith.constant 40 : i32
      %dma_start3A_116 = arith.constant 0 : i32
      %dma_start3A_117 = tpu.memref_slice %arg3[%run_scoped3A_54, %add3A, %dma_start3A_115, %dma_start3A_116] : memref<2x32x80x128xi32, #tpu.memory_space<hbm>> -> memref<1x1x40x128xi32, #tpu.memory_space<hbm>>
      %dma_start3A_118 = tpu.memref_squeeze %dma_start3A_117 : memref<1x1x40x128xi32, #tpu.memory_space<hbm>> -> memref<40x128xi32, #tpu.memory_space<hbm>>
      %dma_start3A_119 = arith.constant 40 : i32
      %dma_start3A_120 = arith.constant 0 : i32
      %dma_start3A_121 = tpu.memref_slice %arg3[%run_scoped3A_54, %add3A, %dma_start3A_119, %dma_start3A_120] : memref<2x32x80x128xi32, #tpu.memory_space<hbm>> -> memref<1x1x40x128xi32, #tpu.memory_space<hbm>>
      %dma_start3A_122 = tpu.memref_squeeze %dma_start3A_121 : memref<1x1x40x128xi32, #tpu.memory_space<hbm>> -> memref<40x128xi32, #tpu.memory_space<hbm>>
      tpu.enqueue_dma source(%dma_start3A_122 : memref<40x128xi32, #tpu.memory_space<hbm>>) target(%arg6 : memref<40x128xi32, #tpu.memory_space<vmem>>) target_semaphore(%run_scoped3A_114 : memref<!tpu.dma_semaphore, #tpu.memory_space<semaphore_mem>>)
      %dma_wait3A_123 = arith.constant 40 : i32
      %dma_wait3A_124 = arith.constant 0 : i32
      %dma_wait3A_125 = tpu.memref_slice %arg3[%run_scoped3A_54, %add3A, %dma_wait3A_123, %dma_wait3A_124] : memref<2x32x80x128xi32, #tpu.memory_space<hbm>> -> memref<1x1x40x128xi32, #tpu.memory_space<hbm>>
      %dma_wait3A_126 = tpu.memref_squeeze %dma_wait3A_125 : memref<1x1x40x128xi32, #tpu.memory_space<hbm>> -> memref<40x128xi32, #tpu.memory_space<hbm>>
      %dma_wait3A_127 = arith.constant 40 : i32
      %dma_wait3A_128 = arith.constant 0 : i32
      %dma_wait3A_129 = tpu.memref_slice %arg3[%run_scoped3A_54, %add3A, %dma_wait3A_127, %dma_wait3A_128] : memref<2x32x80x128xi32, #tpu.memory_space<hbm>> -> memref<1x1x40x128xi32, #tpu.memory_space<hbm>>
      %dma_wait3A_130 = tpu.memref_squeeze %dma_wait3A_129 : memref<1x1x40x128xi32, #tpu.memory_space<hbm>> -> memref<40x128xi32, #tpu.memory_space<hbm>>
      tpu.wait_dma2 semaphore(%run_scoped3A_114 : memref<!tpu.dma_semaphore, #tpu.memory_space<semaphore_mem>>) src(%dma_wait3A_130 : memref<40x128xi32, #tpu.memory_space<hbm>>) dst(%arg6 : memref<40x128xi32, #tpu.memory_space<vmem>>)
      tpu.yield
    }) : () -> ()
    %run_scoped3A_55 = arith.constant 1 : i32
    "tpu.region"() ({
      %run_scoped3A_114 = tpu.sem_alloc : memref<!tpu.dma_semaphore, #tpu.memory_space<semaphore_mem>>
      %dma_start3A_115 = arith.constant 40 : i32
      %dma_start3A_116 = arith.constant 0 : i32
      %dma_start3A_117 = tpu.memref_slice %arg3[%run_scoped3A_55, %add3A, %dma_start3A_115, %dma_start3A_116] : memref<2x32x80x128xi32, #tpu.memory_space<hbm>> -> memref<1x1x40x128xi32, #tpu.memory_space<hbm>>
      %dma_start3A_118 = tpu.memref_squeeze %dma_start3A_117 : memref<1x1x40x128xi32, #tpu.memory_space<hbm>> -> memref<40x128xi32, #tpu.memory_space<hbm>>
      %dma_start3A_119 = arith.constant 40 : i32
      %dma_start3A_120 = arith.constant 0 : i32
      %dma_start3A_121 = tpu.memref_slice %arg3[%run_scoped3A_55, %add3A, %dma_start3A_119, %dma_start3A_120] : memref<2x32x80x128xi32, #tpu.memory_space<hbm>> -> memref<1x1x40x128xi32, #tpu.memory_space<hbm>>
      %dma_start3A_122 = tpu.memref_squeeze %dma_start3A_121 : memref<1x1x40x128xi32, #tpu.memory_space<hbm>> -> memref<40x128xi32, #tpu.memory_space<hbm>>
      tpu.enqueue_dma source(%dma_start3A_122 : memref<40x128xi32, #tpu.memory_space<hbm>>) target(%arg7 : memref<40x128xi32, #tpu.memory_space<vmem>>) target_semaphore(%run_scoped3A_114 : memref<!tpu.dma_semaphore, #tpu.memory_space<semaphore_mem>>)
      %dma_wait3A_123 = arith.constant 40 : i32
      %dma_wait3A_124 = arith.constant 0 : i32
      %dma_wait3A_125 = tpu.memref_slice %arg3[%run_scoped3A_55, %add3A, %dma_wait3A_123, %dma_wait3A_124] : memref<2x32x80x128xi32, #tpu.memory_space<hbm>> -> memref<1x1x40x128xi32, #tpu.memory_space<hbm>>
      %dma_wait3A_126 = tpu.memref_squeeze %dma_wait3A_125 : memref<1x1x40x128xi32, #tpu.memory_space<hbm>> -> memref<40x128xi32, #tpu.memory_space<hbm>>
      %dma_wait3A_127 = arith.constant 40 : i32
      %dma_wait3A_128 = arith.constant 0 : i32
      %dma_wait3A_129 = tpu.memref_slice %arg3[%run_scoped3A_55, %add3A, %dma_wait3A_127, %dma_wait3A_128] : memref<2x32x80x128xi32, #tpu.memory_space<hbm>> -> memref<1x1x40x128xi32, #tpu.memory_space<hbm>>
      %dma_wait3A_130 = tpu.memref_squeeze %dma_wait3A_129 : memref<1x1x40x128xi32, #tpu.memory_space<hbm>> -> memref<40x128xi32, #tpu.memory_space<hbm>>
      tpu.wait_dma2 semaphore(%run_scoped3A_114 : memref<!tpu.dma_semaphore, #tpu.memory_space<semaphore_mem>>) src(%dma_wait3A_130 : memref<40x128xi32, #tpu.memory_space<hbm>>) dst(%arg7 : memref<40x128xi32, #tpu.memory_space<vmem>>)
      tpu.yield
    }) : () -> ()
    %dma_start3A_56 = arith.constant 0 : i32
    %dma_start3A_57 = arith.constant 0 : i32
    %dma_start3A_58 = arith.constant 0 : i32
    %dma_start3A_59 = arith.constant 0 : i32
    %dma_start3A_60 = tpu.memref_slice %arg8[%dma_start3A_57, %dma_start3A_58, %dma_start3A_59] : memref<2x128x128xf32, #tpu.memory_space<vmem>> -> memref<1x128x128xf32, #tpu.memory_space<vmem>>
    %dma_start3A_61 = tpu.memref_squeeze %dma_start3A_60 : memref<1x128x128xf32, #tpu.memory_space<vmem>> -> memref<128x128xf32, #tpu.memory_space<vmem>>
    %dma_start3A_62 = arith.constant 0 : i32
    %dma_start3A_63 = tpu.memref_slice %arg6[%dma_start3A_56, %dma_start3A_62] : memref<40x128xi32, #tpu.memory_space<vmem>> -> memref<1x128xi32, #tpu.memory_space<vmem>>
    %dma_start3A_64 = tpu.memref_squeeze %dma_start3A_63 : memref<1x128xi32, #tpu.memory_space<vmem>> -> memref<128xi32, #tpu.memory_space<vmem>>
    %dma_start3A_65 = arith.constant 0 : i32
    %dma_start3A_66 = arith.constant 0 : i32
    %dma_start3A_67 = tpu.memref_slice %arg2[%dma_start3A_65, %dma_start3A_66] : memref<10240x128xf32, #tpu.memory_space<hbm>> -> memref<10240x128xf32, #tpu.memory_space<hbm>>
    tpu.enqueue_indirect_dma source(%dma_start3A_67 : memref<10240x128xf32, #tpu.memory_space<hbm>>) target(%dma_start3A_61 : memref<128x128xf32, #tpu.memory_space<vmem>>) offsets(%dma_start3A_64 : memref<128xi32, #tpu.memory_space<vmem>>) semaphore(%arg10 : memref<!tpu.dma_semaphore, #tpu.memory_space<semaphore_mem>>)
    %dma_wait3A_68 = arith.constant 0 : i32
    %dma_wait3A_69 = arith.constant 0 : i32
    %dma_wait3A_70 = arith.constant 0 : i32
    %dma_wait3A_71 = arith.constant 0 : i32
    %dma_wait3A_72 = tpu.memref_slice %arg8[%dma_wait3A_69, %dma_wait3A_70, %dma_wait3A_71] : memref<2x128x128xf32, #tpu.memory_space<vmem>> -> memref<1x128x128xf32, #tpu.memory_space<vmem>>
    %dma_wait3A_73 = tpu.memref_squeeze %dma_wait3A_72 : memref<1x128x128xf32, #tpu.memory_space<vmem>> -> memref<128x128xf32, #tpu.memory_space<vmem>>
    %dma_wait3A_74 = arith.constant 0 : i32
    %dma_wait3A_75 = tpu.memref_slice %arg6[%dma_wait3A_68, %dma_wait3A_74] : memref<40x128xi32, #tpu.memory_space<vmem>> -> memref<1x128xi32, #tpu.memory_space<vmem>>
    %dma_wait3A_76 = tpu.memref_squeeze %dma_wait3A_75 : memref<1x128xi32, #tpu.memory_space<vmem>> -> memref<128xi32, #tpu.memory_space<vmem>>
    %dma_wait3A_77 = arith.constant 0 : i32
    %dma_wait3A_78 = arith.constant 0 : i32
    %dma_wait3A_79 = tpu.memref_slice %arg2[%dma_wait3A_77, %dma_wait3A_78] : memref<10240x128xf32, #tpu.memory_space<hbm>> -> memref<10240x128xf32, #tpu.memory_space<hbm>>
    tpu.wait_indirect_dma semaphore(%arg10 : memref<!tpu.dma_semaphore, #tpu.memory_space<semaphore_mem>>) src(%dma_wait3A_79 : memref<10240x128xf32, #tpu.memory_space<hbm>>) dst(%dma_wait3A_73 : memref<128x128xf32, #tpu.memory_space<vmem>>)
    %scan3A_80 = arith.constant 0 : i32
    %scan3A_81 = arith.constant 39 : i32
    %scan3A_82 = arith.addi %scan3A_80, %scan3A_81 : i32
    %scan3A_83 = arith.constant 1 : i32
    scf.for %scan3A_114 = %scan3A_80 to %scan3A_82 step %scan3A_83  : i32 {
      %mul3A_115 = arith.constant 1 : i32
      %mul3A_116 = arith.muli %scan3A_114, %mul3A_115 : i32
      %add3A_117 = arith.constant 0 : i32
      %add3A_118 = arith.addi %add3A_117, %mul3A_116 : i32
      %jit3A = arith.constant 2 : i32
      %eq3A = arith.constant 0 : i32
      %eq3A_119 = arith.cmpi eq, %jit3A, %eq3A : i32
      %jit3A_120 = arith.constant 1 : i32
      %select_n3A = arith.select %eq3A_119, %jit3A_120, %jit3A : i32
      %rem3A = arith.remsi %add3A_118, %select_n3A : i32
      %ne3A = arith.constant 0 : i32
      %ne3A_121 = arith.cmpi ne, %rem3A, %ne3A : i32
      %lt3A = arith.constant 0 : i32
      %lt3A_122 = arith.cmpi slt, %rem3A, %lt3A : i32
      %lt3A_123 = arith.constant 0 : i32
      %lt3A_124 = arith.cmpi slt, %select_n3A, %lt3A_123 : i32
      %ne3A_125 = arith.xori %lt3A_122, %lt3A_124 : i1
      %and3A = arith.andi %ne3A_125, %ne3A_121 : i1
      %add3A_126 = arith.addi %rem3A, %select_n3A : i32
      %select_n3A_127 = arith.select %and3A, %add3A_126, %rem3A : i32
      %add3A_128 = arith.constant 1 : i32
      %add3A_129 = arith.addi %add3A_118, %add3A_128 : i32
      %sub3A = arith.constant 1 : i32
      %sub3A_130 = arith.subi %sub3A, %select_n3A_127 : i32
      %dma_start3A_131 = arith.constant 0 : i32
      %dma_start3A_132 = arith.constant 0 : i32
      %dma_start3A_133 = tpu.memref_slice %arg8[%sub3A_130, %dma_start3A_131, %dma_start3A_132] : memref<2x128x128xf32, #tpu.memory_space<vmem>> -> memref<1x128x128xf32, #tpu.memory_space<vmem>>
      %dma_start3A_134 = tpu.memref_squeeze %dma_start3A_133 : memref<1x128x128xf32, #tpu.memory_space<vmem>> -> memref<128x128xf32, #tpu.memory_space<vmem>>
      %dma_start3A_135 = arith.constant 0 : i32
      %dma_start3A_136 = tpu.memref_slice %arg6[%add3A_129, %dma_start3A_135] : memref<40x128xi32, #tpu.memory_space<vmem>> -> memref<1x128xi32, #tpu.memory_space<vmem>>
      %dma_start3A_137 = tpu.memref_squeeze %dma_start3A_136 : memref<1x128xi32, #tpu.memory_space<vmem>> -> memref<128xi32, #tpu.memory_space<vmem>>
      %dma_start3A_138 = arith.constant 0 : i32
      %dma_start3A_139 = arith.constant 0 : i32
      %dma_start3A_140 = tpu.memref_slice %arg2[%dma_start3A_138, %dma_start3A_139] : memref<10240x128xf32, #tpu.memory_space<hbm>> -> memref<10240x128xf32, #tpu.memory_space<hbm>>
      tpu.enqueue_indirect_dma source(%dma_start3A_140 : memref<10240x128xf32, #tpu.memory_space<hbm>>) target(%dma_start3A_134 : memref<128x128xf32, #tpu.memory_space<vmem>>) offsets(%dma_start3A_137 : memref<128xi32, #tpu.memory_space<vmem>>) semaphore(%arg10 : memref<!tpu.dma_semaphore, #tpu.memory_space<semaphore_mem>>)
      %dma_start3A_141 = arith.constant 0 : i32
      %dma_start3A_142 = arith.constant 0 : i32
      %dma_start3A_143 = tpu.memref_slice %arg8[%select_n3A_127, %dma_start3A_141, %dma_start3A_142] : memref<2x128x128xf32, #tpu.memory_space<vmem>> -> memref<1x128x128xf32, #tpu.memory_space<vmem>>
      %dma_start3A_144 = tpu.memref_squeeze %dma_start3A_143 : memref<1x128x128xf32, #tpu.memory_space<vmem>> -> memref<128x128xf32, #tpu.memory_space<vmem>>
      %dma_start3A_145 = arith.constant 0 : i32
      %dma_start3A_146 = tpu.memref_slice %arg7[%add3A_118, %dma_start3A_145] : memref<40x128xi32, #tpu.memory_space<vmem>> -> memref<1x128xi32, #tpu.memory_space<vmem>>
      %dma_start3A_147 = tpu.memref_squeeze %dma_start3A_146 : memref<1x128xi32, #tpu.memory_space<vmem>> -> memref<128xi32, #tpu.memory_space<vmem>>
      %dma_start3A_148 = arith.constant 0 : i32
      %dma_start3A_149 = arith.constant 0 : i32
      %dma_start3A_150 = tpu.memref_slice %arg9[%dma_start3A_148, %dma_start3A_149] : memref<10240x128xf32, #tpu.memory_space<vmem_shared>> -> memref<10240x128xf32, #tpu.memory_space<vmem_shared>>
      tpu.enqueue_indirect_dma source(%dma_start3A_144 : memref<128x128xf32, #tpu.memory_space<vmem>>) target(%dma_start3A_150 : memref<10240x128xf32, #tpu.memory_space<vmem_shared>>) offsets(%dma_start3A_147 : memref<128xi32, #tpu.memory_space<vmem>>) semaphore(%arg11 : memref<!tpu.dma_semaphore, #tpu.memory_space<semaphore_mem>>) {add = true}
      %dma_wait3A_151 = arith.constant 0 : i32
      %dma_wait3A_152 = arith.constant 0 : i32
      %dma_wait3A_153 = tpu.memref_slice %arg8[%select_n3A_127, %dma_wait3A_151, %dma_wait3A_152] : memref<2x128x128xf32, #tpu.memory_space<vmem>> -> memref<1x128x128xf32, #tpu.memory_space<vmem>>
      %dma_wait3A_154 = tpu.memref_squeeze %dma_wait3A_153 : memref<1x128x128xf32, #tpu.memory_space<vmem>> -> memref<128x128xf32, #tpu.memory_space<vmem>>
      %dma_wait3A_155 = arith.constant 0 : i32
      %dma_wait3A_156 = tpu.memref_slice %arg7[%add3A_118, %dma_wait3A_155] : memref<40x128xi32, #tpu.memory_space<vmem>> -> memref<1x128xi32, #tpu.memory_space<vmem>>
      %dma_wait3A_157 = tpu.memref_squeeze %dma_wait3A_156 : memref<1x128xi32, #tpu.memory_space<vmem>> -> memref<128xi32, #tpu.memory_space<vmem>>
      %dma_wait3A_158 = arith.constant 0 : i32
      %dma_wait3A_159 = arith.constant 0 : i32
      %dma_wait3A_160 = tpu.memref_slice %arg9[%dma_wait3A_158, %dma_wait3A_159] : memref<10240x128xf32, #tpu.memory_space<vmem_shared>> -> memref<10240x128xf32, #tpu.memory_space<vmem_shared>>
      tpu.wait_indirect_dma semaphore(%arg11 : memref<!tpu.dma_semaphore, #tpu.memory_space<semaphore_mem>>) src(%dma_wait3A_154 : memref<128x128xf32, #tpu.memory_space<vmem>>) dst(%dma_wait3A_160 : memref<10240x128xf32, #tpu.memory_space<vmem_shared>>)
      %dma_wait3A_161 = arith.constant 0 : i32
      %dma_wait3A_162 = arith.constant 0 : i32
      %dma_wait3A_163 = tpu.memref_slice %arg8[%sub3A_130, %dma_wait3A_161, %dma_wait3A_162] : memref<2x128x128xf32, #tpu.memory_space<vmem>> -> memref<1x128x128xf32, #tpu.memory_space<vmem>>
      %dma_wait3A_164 = tpu.memref_squeeze %dma_wait3A_163 : memref<1x128x128xf32, #tpu.memory_space<vmem>> -> memref<128x128xf32, #tpu.memory_space<vmem>>
      %dma_wait3A_165 = arith.constant 0 : i32
      %dma_wait3A_166 = tpu.memref_slice %arg6[%add3A_129, %dma_wait3A_165] : memref<40x128xi32, #tpu.memory_space<vmem>> -> memref<1x128xi32, #tpu.memory_space<vmem>>
      %dma_wait3A_167 = tpu.memref_squeeze %dma_wait3A_166 : memref<1x128xi32, #tpu.memory_space<vmem>> -> memref<128xi32, #tpu.memory_space<vmem>>
      %dma_wait3A_168 = arith.constant 0 : i32
      %dma_wait3A_169 = arith.constant 0 : i32
      %dma_wait3A_170 = tpu.memref_slice %arg2[%dma_wait3A_168, %dma_wait3A_169] : memref<10240x128xf32, #tpu.memory_space<hbm>> -> memref<10240x128xf32, #tpu.memory_space<hbm>>
      tpu.wait_indirect_dma semaphore(%arg10 : memref<!tpu.dma_semaphore, #tpu.memory_space<semaphore_mem>>) src(%dma_wait3A_170 : memref<10240x128xf32, #tpu.memory_space<hbm>>) dst(%dma_wait3A_164 : memref<128x128xf32, #tpu.memory_space<vmem>>)
    }
    %scan3A_84 = arith.constant 39 : i32
    %dma_start3A_85 = arith.constant 1 : i32
    %dma_start3A_86 = arith.constant 39 : i32
    %dma_start3A_87 = arith.constant 0 : i32
    %dma_start3A_88 = arith.constant 0 : i32
    %dma_start3A_89 = tpu.memref_slice %arg8[%dma_start3A_85, %dma_start3A_87, %dma_start3A_88] : memref<2x128x128xf32, #tpu.memory_space<vmem>> -> memref<1x128x128xf32, #tpu.memory_space<vmem>>
    %dma_start3A_90 = tpu.memref_squeeze %dma_start3A_89 : memref<1x128x128xf32, #tpu.memory_space<vmem>> -> memref<128x128xf32, #tpu.memory_space<vmem>>
    %dma_start3A_91 = arith.constant 0 : i32
    %dma_start3A_92 = tpu.memref_slice %arg7[%dma_start3A_86, %dma_start3A_91] : memref<40x128xi32, #tpu.memory_space<vmem>> -> memref<1x128xi32, #tpu.memory_space<vmem>>
    %dma_start3A_93 = tpu.memref_squeeze %dma_start3A_92 : memref<1x128xi32, #tpu.memory_space<vmem>> -> memref<128xi32, #tpu.memory_space<vmem>>
    %dma_start3A_94 = arith.constant 0 : i32
    %dma_start3A_95 = arith.constant 0 : i32
    %dma_start3A_96 = tpu.memref_slice %arg9[%dma_start3A_94, %dma_start3A_95] : memref<10240x128xf32, #tpu.memory_space<vmem_shared>> -> memref<10240x128xf32, #tpu.memory_space<vmem_shared>>
    tpu.enqueue_indirect_dma source(%dma_start3A_90 : memref<128x128xf32, #tpu.memory_space<vmem>>) target(%dma_start3A_96 : memref<10240x128xf32, #tpu.memory_space<vmem_shared>>) offsets(%dma_start3A_93 : memref<128xi32, #tpu.memory_space<vmem>>) semaphore(%arg11 : memref<!tpu.dma_semaphore, #tpu.memory_space<semaphore_mem>>) {add = true}
    %dma_wait3A_97 = arith.constant 1 : i32
    %dma_wait3A_98 = arith.constant 39 : i32
    %dma_wait3A_99 = arith.constant 0 : i32
    %dma_wait3A_100 = arith.constant 0 : i32
    %dma_wait3A_101 = tpu.memref_slice %arg8[%dma_wait3A_97, %dma_wait3A_99, %dma_wait3A_100] : memref<2x128x128xf32, #tpu.memory_space<vmem>> -> memref<1x128x128xf32, #tpu.memory_space<vmem>>
    %dma_wait3A_102 = tpu.memref_squeeze %dma_wait3A_101 : memref<1x128x128xf32, #tpu.memory_space<vmem>> -> memref<128x128xf32, #tpu.memory_space<vmem>>
    %dma_wait3A_103 = arith.constant 0 : i32
    %dma_wait3A_104 = tpu.memref_slice %arg7[%dma_wait3A_98, %dma_wait3A_103] : memref<40x128xi32, #tpu.memory_space<vmem>> -> memref<1x128xi32, #tpu.memory_space<vmem>>
    %dma_wait3A_105 = tpu.memref_squeeze %dma_wait3A_104 : memref<1x128xi32, #tpu.memory_space<vmem>> -> memref<128xi32, #tpu.memory_space<vmem>>
    %dma_wait3A_106 = arith.constant 0 : i32
    %dma_wait3A_107 = arith.constant 0 : i32
    %dma_wait3A_108 = tpu.memref_slice %arg9[%dma_wait3A_106, %dma_wait3A_107] : memref<10240x128xf32, #tpu.memory_space<vmem_shared>> -> memref<10240x128xf32, #tpu.memory_space<vmem_shared>>
    tpu.wait_indirect_dma semaphore(%arg11 : memref<!tpu.dma_semaphore, #tpu.memory_space<semaphore_mem>>) src(%dma_wait3A_102 : memref<128x128xf32, #tpu.memory_space<vmem>>) dst(%dma_wait3A_108 : memref<10240x128xf32, #tpu.memory_space<vmem_shared>>)
    %barrier3A_109 = arith.constant 0 : index
    tpu.barrier barrier_id(%barrier3A_109)
    %mul3A_110 = arith.constant 640 : i32
    %mul3A_111 = arith.muli %arg1, %mul3A_110 : i32
    %mul3A_112 = arith.constant 640 : i32
    %mul3A_113 = arith.muli %arg1, %mul3A_112 : i32
    "tpu.region"() ({
      %run_scoped3A_114 = tpu.sem_alloc : memref<!tpu.dma_semaphore, #tpu.memory_space<semaphore_mem>>
      %dma_start3A_115 = arith.constant 0 : i32
      %dma_start3A_116 = tpu.memref_slice %arg5[%arg0, %mul3A_113, %dma_start3A_115] : memref<2x10240x128xf32, #tpu.memory_space<hbm>> -> memref<1x640x128xf32, #tpu.memory_space<hbm>>
      %dma_start3A_117 = tpu.memref_squeeze %dma_start3A_116 : memref<1x640x128xf32, #tpu.memory_space<hbm>> -> memref<640x128xf32, #tpu.memory_space<hbm>>
      %dma_start3A_118 = arith.constant 0 : i32
      %dma_start3A_119 = tpu.memref_slice %arg9[%mul3A_111, %dma_start3A_118] : memref<10240x128xf32, #tpu.memory_space<vmem_shared>> -> memref<640x128xf32, #tpu.memory_space<vmem_shared>>
      tpu.enqueue_dma source(%dma_start3A_119 : memref<640x128xf32, #tpu.memory_space<vmem_shared>>) target(%dma_start3A_117 : memref<640x128xf32, #tpu.memory_space<hbm>>) target_semaphore(%run_scoped3A_114 : memref<!tpu.dma_semaphore, #tpu.memory_space<semaphore_mem>>)
      %dma_wait3A_120 = arith.constant 0 : i32
      %dma_wait3A_121 = tpu.memref_slice %arg5[%arg0, %mul3A_113, %dma_wait3A_120] : memref<2x10240x128xf32, #tpu.memory_space<hbm>> -> memref<1x640x128xf32, #tpu.memory_space<hbm>>
      %dma_wait3A_122 = tpu.memref_squeeze %dma_wait3A_121 : memref<1x640x128xf32, #tpu.memory_space<hbm>> -> memref<640x128xf32, #tpu.memory_space<hbm>>
      %dma_wait3A_123 = arith.constant 0 : i32
      %dma_wait3A_124 = tpu.memref_slice %arg9[%mul3A_111, %dma_wait3A_123] : memref<10240x128xf32, #tpu.memory_space<vmem_shared>> -> memref<640x128xf32, #tpu.memory_space<vmem_shared>>
      tpu.wait_dma2 semaphore(%run_scoped3A_114 : memref<!tpu.dma_semaphore, #tpu.memory_space<semaphore_mem>>) src(%dma_wait3A_124 : memref<640x128xf32, #tpu.memory_space<vmem_shared>>) dst(%dma_wait3A_122 : memref<640x128xf32, #tpu.memory_space<hbm>>)
      tpu.yield
    }) : () -> ()
    return
  }
}

module attributes {stable_mosaic.version = 14 : i64} {
  func.func @_tc_proj_body(%arg0: i32, %arg1: memref<1280x128xf32, #tpu.memory_space<vmem>>, %arg2: memref<2x1280x1xf32, #tpu.memory_space<vmem>>, %arg3: memref<128x128xf32, #tpu.memory_space<vmem>>, %arg4: memref<128x128xf32, #tpu.memory_space<vmem>>, %arg5: memref<128x128xf32, #tpu.memory_space<vmem>>, %arg6: memref<1280x128xf32, #tpu.memory_space<vmem>>) attributes {dimension_semantics = [#tpu.dimension_semantics<arbitrary>], iteration_bounds = array<i64: 8>, scalar_prefetch = 0 : i64, scratch_operands = 0 : i64, tpu.core_type = #tpu.core_type<tc>, window_params = [{transform_indices = @transform_0, window_bounds = array<i64: 1280, 128>}, {transform_indices = @transform_1, window_bounds = array<i64: 2, 1280, 1>}, {pipeline_mode = #tpu.pipeline_mode<synchronous>, transform_indices = @transform_2, window_bounds = array<i64: 128, 128>}, {pipeline_mode = #tpu.pipeline_mode<synchronous>, transform_indices = @transform_3, window_bounds = array<i64: 128, 128>}, {pipeline_mode = #tpu.pipeline_mode<synchronous>, transform_indices = @transform_4, window_bounds = array<i64: 128, 128>}, {transform_indices = @transform_5, window_bounds = array<i64: 1280, 128>}]} {
    %get3A = arith.constant 0 : index
    %get3A_0 = arith.constant 0 : index
    %get3A_1 = arith.constant 0 : index
    %get3A_2 = vector.load %arg2[%get3A, %get3A_0, %get3A_1] : memref<2x1280x1xf32, #tpu.memory_space<vmem>>, vector<1x1280x1xf32>
    %get3A_3 = vector.shape_cast %get3A_2 : vector<1x1280x1xf32> to vector<1280x1xf32>
    %get3A_4 = arith.constant 1 : index
    %get3A_5 = arith.constant 0 : index
    %get3A_6 = arith.constant 0 : index
    %get3A_7 = vector.load %arg2[%get3A_4, %get3A_5, %get3A_6] : memref<2x1280x1xf32, #tpu.memory_space<vmem>>, vector<1x1280x1xf32>
    %get3A_8 = vector.shape_cast %get3A_7 : vector<1x1280x1xf32> to vector<1280x1xf32>
    %add3A = arith.addf %get3A_3, %get3A_8 : vector<1280x1xf32>
    %max3A = arith.constant 1.000000e+00 : f32
    %max3A_9 = vector.broadcast %max3A : f32 to vector<1280x1xf32>
    %max3A_10 = arith.maximumf %add3A, %max3A_9 : vector<1280x1xf32>
    %rsqrt3A = math.rsqrt %max3A_10 : vector<1280x1xf32>
    %get3A_11 = arith.constant 0 : index
    %get3A_12 = arith.constant 0 : index
    %get3A_13 = vector.load %arg3[%get3A_11, %get3A_12] : memref<128x128xf32, #tpu.memory_space<vmem>>, vector<128x128xf32>
    %get3A_14 = arith.constant 0 : index
    %get3A_15 = arith.constant 0 : index
    %get3A_16 = vector.load %arg4[%get3A_14, %get3A_15] : memref<128x128xf32, #tpu.memory_space<vmem>>, vector<128x128xf32>
    %exp3A = math.exp %get3A_16 : vector<128x128xf32>
    %get3A_17 = arith.constant 0 : index
    %get3A_18 = arith.constant 0 : index
    %get3A_19 = vector.load %arg5[%get3A_17, %get3A_18] : memref<128x128xf32, #tpu.memory_space<vmem>>, vector<128x128xf32>
    %mul3A = arith.mulf %exp3A, %get3A_19 : vector<128x128xf32>
    %add3A_20 = arith.addf %get3A_13, %mul3A : vector<128x128xf32>
    %get3A_21 = arith.constant 0 : index
    %get3A_22 = arith.constant 0 : index
    %get3A_23 = vector.load %arg1[%get3A_21, %get3A_22] : memref<1280x128xf32, #tpu.memory_space<vmem>>, vector<1280x128xf32>
    %mul3A_24 = vector.broadcast %rsqrt3A : vector<1280x1xf32> to vector<1280x128xf32>
    %mul3A_25 = arith.mulf %get3A_23, %mul3A_24 : vector<1280x128xf32>
    %dot_general3A = arith.constant dense<0.000000e+00> : vector<1280x128xf32>
    %dot_general3A_26 = tpu.matmul %mul3A_25, %add3A_20, %dot_general3A {dimension_numbers = #tpu.dot_dimension_numbers<[1], [0], [0], [1], [0, 0, 1, 1], [], []>, transpose_lhs_hint = false} : vector<1280x128xf32>, vector<128x128xf32>, vector<1280x128xf32> -> vector<1280x128xf32>
    %swap3A = arith.constant 0 : index
    %swap3A_27 = arith.constant 0 : index
    %swap3A_28 = vector.load %arg6[%swap3A, %swap3A_27] : memref<1280x128xf32, #tpu.memory_space<vmem>>, vector<1280x128xf32>
    tpu.vector_store %arg6[%swap3A, %swap3A_27], %dot_general3A_26 {strides = array<i32>} : memref<1280x128xf32, #tpu.memory_space<vmem>>, vector<1280x128xf32>,
    return
  }
  func.func @transform_0(%arg0: i32) -> (i32, i32) {
    %c0_i32 = arith.constant 0 : i32
    %c0_i32_0 = arith.constant 0 : i32
    return %arg0, %c0_i32 : i32, i32
  }
  func.func @transform_1(%arg0: i32) -> (i32, i32, i32) {
    %c0_i32 = arith.constant 0 : i32
    %c0_i32_0 = arith.constant 0 : i32
    %c0_i32_1 = arith.constant 0 : i32
    return %c0_i32, %arg0, %c0_i32_0 : i32, i32, i32
  }
  func.func @transform_2(%arg0: i32) -> (i32, i32) {
    %c0_i32 = arith.constant 0 : i32
    %c0_i32_0 = arith.constant 0 : i32
    %c0_i32_1 = arith.constant 0 : i32
    return %c0_i32, %c0_i32_0 : i32, i32
  }
  func.func @transform_3(%arg0: i32) -> (i32, i32) {
    %c0_i32 = arith.constant 0 : i32
    %c0_i32_0 = arith.constant 0 : i32
    %c0_i32_1 = arith.constant 0 : i32
    return %c0_i32, %c0_i32_0 : i32, i32
  }
  func.func @transform_4(%arg0: i32) -> (i32, i32) {
    %c0_i32 = arith.constant 0 : i32
    %c0_i32_0 = arith.constant 0 : i32
    %c0_i32_1 = arith.constant 0 : i32
    return %c0_i32, %c0_i32_0 : i32, i32
  }
  func.func @transform_5(%arg0: i32) -> (i32, i32) {
    %c0_i32 = arith.constant 0 : i32
    %c0_i32_0 = arith.constant 0 : i32
    return %arg0, %c0_i32 : i32, i32
  }
}

module attributes {stable_mosaic.version = 14 : i64} {
  func.func @_tc_post_body(%arg0: i32, %arg1: memref<2x1000x128xf32, #tpu.memory_space<vmem>>, %arg2: memref<2x1000x1xf32, #tpu.memory_space<vmem>>, %arg3: memref<1x128xf32, #tpu.memory_space<vmem>>, %arg4: memref<1x128xf32, #tpu.memory_space<vmem>>, %arg5: memref<1x128xf32, #tpu.memory_space<vmem>>, %arg6: memref<128x128xf32, #tpu.memory_space<vmem>>, %arg7: memref<128x128xf32, #tpu.memory_space<vmem>>, %arg8: memref<128x128xf32, #tpu.memory_space<vmem>>, %arg9: memref<128x128xf32, #tpu.memory_space<vmem>>, %arg10: memref<1x128xf32, #tpu.memory_space<vmem>>, %arg11: memref<1x128xf32, #tpu.memory_space<vmem>>, %arg12: memref<1000x128xf32, #tpu.memory_space<vmem>>, %arg13: memref<1x1xf32, #tpu.memory_space<vmem>>) attributes {dimension_semantics = [#tpu.dimension_semantics<arbitrary>], iteration_bounds = array<i64: 10>, scalar_prefetch = 0 : i64, scratch_operands = 0 : i64, tpu.core_type = #tpu.core_type<tc>, window_params = [{transform_indices = @transform_0, window_bounds = array<i64: 2, 1000, 128>}, {transform_indices = @transform_1, window_bounds = array<i64: 2, 1000, 1>}, {pipeline_mode = #tpu.pipeline_mode<synchronous>, transform_indices = @transform_2, window_bounds = array<i64: 1, 128>}, {pipeline_mode = #tpu.pipeline_mode<synchronous>, transform_indices = @transform_3, window_bounds = array<i64: 1, 128>}, {pipeline_mode = #tpu.pipeline_mode<synchronous>, transform_indices = @transform_4, window_bounds = array<i64: 1, 128>}, {pipeline_mode = #tpu.pipeline_mode<synchronous>, transform_indices = @transform_5, window_bounds = array<i64: 128, 128>}, {pipeline_mode = #tpu.pipeline_mode<synchronous>, transform_indices = @transform_6, window_bounds = array<i64: 128, 128>}, {pipeline_mode = #tpu.pipeline_mode<synchronous>, transform_indices = @transform_7, window_bounds = array<i64: 128, 128>}, {pipeline_mode = #tpu.pipeline_mode<synchronous>, transform_indices = @transform_8, window_bounds = array<i64: 128, 128>}, {pipeline_mode = #tpu.pipeline_mode<synchronous>, transform_indices = @transform_9, window_bounds = array<i64: 1, 128>}, {pipeline_mode = #tpu.pipeline_mode<synchronous>, transform_indices = @transform_10, window_bounds = array<i64: 1, 128>}, {transform_indices = @transform_11, window_bounds = array<i64: 1000, 128>}, {pipeline_mode = #tpu.pipeline_mode<synchronous>, transform_indices = @transform_12, window_bounds = array<i64: 1, 1>}]} {
    %get3A = arith.constant 0 : index
    %get3A_0 = arith.constant 0 : index
    %get3A_1 = arith.constant 0 : index
    %get3A_2 = vector.load %arg1[%get3A, %get3A_0, %get3A_1] : memref<2x1000x128xf32, #tpu.memory_space<vmem>>, vector<1x1000x128xf32>
    %get3A_3 = vector.shape_cast %get3A_2 : vector<1x1000x128xf32> to vector<1000x128xf32>
    %get3A_4 = arith.constant 1 : index
    %get3A_5 = arith.constant 0 : index
    %get3A_6 = arith.constant 0 : index
    %get3A_7 = vector.load %arg1[%get3A_4, %get3A_5, %get3A_6] : memref<2x1000x128xf32, #tpu.memory_space<vmem>>, vector<1x1000x128xf32>
    %get3A_8 = vector.shape_cast %get3A_7 : vector<1x1000x128xf32> to vector<1000x128xf32>
    %add3A = arith.addf %get3A_3, %get3A_8 : vector<1000x128xf32>
    %get3A_9 = arith.constant 0 : index
    %get3A_10 = arith.constant 0 : index
    %get3A_11 = arith.constant 0 : index
    %get3A_12 = vector.load %arg2[%get3A_9, %get3A_10, %get3A_11] : memref<2x1000x1xf32, #tpu.memory_space<vmem>>, vector<1x1000x1xf32>
    %get3A_13 = vector.shape_cast %get3A_12 : vector<1x1000x1xf32> to vector<1000x1xf32>
    %get3A_14 = arith.constant 1 : index
    %get3A_15 = arith.constant 0 : index
    %get3A_16 = arith.constant 0 : index
    %get3A_17 = vector.load %arg2[%get3A_14, %get3A_15, %get3A_16] : memref<2x1000x1xf32, #tpu.memory_space<vmem>>, vector<1x1000x1xf32>
    %get3A_18 = vector.shape_cast %get3A_17 : vector<1x1000x1xf32> to vector<1000x1xf32>
    %add3A_19 = arith.addf %get3A_13, %get3A_18 : vector<1000x1xf32>
    %max3A = arith.constant 1.000000e+00 : f32
    %max3A_20 = vector.broadcast %max3A : f32 to vector<1000x1xf32>
    %max3A_21 = arith.maximumf %add3A_19, %max3A_20 : vector<1000x1xf32>
    %rsqrt3A = math.rsqrt %max3A_21 : vector<1000x1xf32>
    %get3A_22 = arith.constant 0 : index
    %get3A_23 = arith.constant 0 : index
    %get3A_24 = vector.load %arg3[%get3A_22, %get3A_23] : memref<1x128xf32, #tpu.memory_space<vmem>>, vector<1x128xf32>
    %get3A_25 = arith.constant 0 : index
    %get3A_26 = arith.constant 0 : index
    %get3A_27 = vector.load %arg4[%get3A_25, %get3A_26] : memref<1x128xf32, #tpu.memory_space<vmem>>, vector<1x128xf32>
    %exp3A = math.exp %get3A_27 : vector<1x128xf32>
    %get3A_28 = arith.constant 0 : index
    %get3A_29 = arith.constant 0 : index
    %get3A_30 = vector.load %arg5[%get3A_28, %get3A_29] : memref<1x128xf32, #tpu.memory_space<vmem>>, vector<1x128xf32>
    %mul3A = arith.mulf %exp3A, %get3A_30 : vector<1x128xf32>
    %add3A_31 = arith.addf %get3A_24, %mul3A : vector<1x128xf32>
    %mul3A_32 = vector.broadcast %rsqrt3A : vector<1000x1xf32> to vector<1000x128xf32>
    %mul3A_33 = arith.mulf %add3A, %mul3A_32 : vector<1000x128xf32>
    %add3A_34 = vector.broadcast %add3A_31 : vector<1x128xf32> to vector<1000x128xf32>
    %add3A_35 = arith.addf %mul3A_33, %add3A_34 : vector<1000x128xf32>
    %swap3A = arith.constant 0 : index
    %swap3A_36 = arith.constant 0 : index
    %swap3A_37 = vector.load %arg12[%swap3A, %swap3A_36] : memref<1000x128xf32, #tpu.memory_space<vmem>>, vector<1000x128xf32>
    tpu.vector_store %arg12[%swap3A, %swap3A_36], %add3A_35 {strides = array<i32>} : memref<1000x128xf32, #tpu.memory_space<vmem>>, vector<1000x128xf32>,
    %eq3A = arith.constant 0 : i32
    %eq3A_38 = arith.cmpi eq, %arg0, %eq3A : i32
    %convert_element_type3A = arith.extui %eq3A_38 : i1 to i32
    %cond3A = arith.constant 0 : i32
    %cond3A_39 = arith.cmpi ne, %convert_element_type3A, %cond3A : i32
    scf.if %cond3A_39 {
      %get3A_40 = arith.constant 0 : index
      %get3A_41 = arith.constant 0 : index
      %get3A_42 = vector.load %arg6[%get3A_40, %get3A_41] : memref<128x128xf32, #tpu.memory_space<vmem>>, vector<128x128xf32>
      %get3A_43 = arith.constant 0 : index
      %get3A_44 = arith.constant 0 : index
      %get3A_45 = vector.load %arg7[%get3A_43, %get3A_44] : memref<128x128xf32, #tpu.memory_space<vmem>>, vector<128x128xf32>
      %get3A_46 = arith.constant 0 : index
      %get3A_47 = arith.constant 0 : index
      %get3A_48 = vector.load %arg8[%get3A_46, %get3A_47] : memref<128x128xf32, #tpu.memory_space<vmem>>, vector<128x128xf32>
      %get3A_49 = arith.constant 0 : index
      %get3A_50 = arith.constant 0 : index
      %get3A_51 = vector.load %arg9[%get3A_49, %get3A_50] : memref<128x128xf32, #tpu.memory_space<vmem>>, vector<128x128xf32>
      %mul3A_52 = arith.constant 2.000000e+00 : f32
      %mul3A_53 = vector.broadcast %mul3A_52 : f32 to vector<128x128xf32>
      %mul3A_54 = arith.mulf %mul3A_53, %get3A_45 : vector<128x128xf32>
      %exp3A_55 = math.exp %mul3A_54 : vector<128x128xf32>
      %mul3A_56 = arith.constant 2.000000e+00 : f32
      %mul3A_57 = vector.broadcast %mul3A_56 : f32 to vector<128x128xf32>
      %mul3A_58 = arith.mulf %mul3A_57, %get3A_51 : vector<128x128xf32>
      %exp3A_59 = math.exp %mul3A_58 : vector<128x128xf32>
      %sub3A = arith.subf %get3A_51, %get3A_45 : vector<128x128xf32>
      %sub3A_60 = arith.subf %get3A_42, %get3A_48 : vector<128x128xf32>
      %integer_pow3A = arith.mulf %sub3A_60, %sub3A_60 : vector<128x128xf32>
      %add3A_61 = arith.addf %exp3A_55, %integer_pow3A : vector<128x128xf32>
      %mul3A_62 = arith.constant 2.000000e+00 : f32
      %mul3A_63 = vector.broadcast %mul3A_62 : f32 to vector<128x128xf32>
      %mul3A_64 = arith.mulf %mul3A_63, %exp3A_59 : vector<128x128xf32>
      %div3A = arith.divf %add3A_61, %mul3A_64 : vector<128x128xf32>
      %add3A_65 = arith.addf %sub3A, %div3A : vector<128x128xf32>
      %sub3A_66 = arith.constant 5.000000e-01 : f32
      %sub3A_67 = vector.broadcast %sub3A_66 : f32 to vector<128x128xf32>
      %sub3A_68 = arith.subf %add3A_65, %sub3A_67 : vector<128x128xf32>
      %reduce_sum3A = vector.shape_cast %sub3A_68 : vector<128x128xf32> to vector<1x128x128xf32>
      %reduce_sum3A_69 = arith.constant dense<0.000000e+00> : vector<1xf32>
      %reduce_sum3A_70 = vector.multi_reduction <add>, %reduce_sum3A, %reduce_sum3A_69 [1, 2] : vector<1x128x128xf32> to vector<1xf32>
      %reduce_sum3A_71 = vector.shape_cast %reduce_sum3A_70 : vector<1xf32> to vector<1x1x1xf32>
      %reduce_sum3A_72 = vector.extract %reduce_sum3A_71[0, 0, 0] : f32 from vector<1x1x1xf32>
      %get3A_73 = arith.constant 0 : index
      %get3A_74 = arith.constant 0 : index
      %get3A_75 = vector.load %arg3[%get3A_73, %get3A_74] : memref<1x128xf32, #tpu.memory_space<vmem>>, vector<1x128xf32>
      %get3A_76 = arith.constant 0 : index
      %get3A_77 = arith.constant 0 : index
      %get3A_78 = vector.load %arg4[%get3A_76, %get3A_77] : memref<1x128xf32, #tpu.memory_space<vmem>>, vector<1x128xf32>
      %get3A_79 = arith.constant 0 : index
      %get3A_80 = arith.constant 0 : index
      %get3A_81 = vector.load %arg10[%get3A_79, %get3A_80] : memref<1x128xf32, #tpu.memory_space<vmem>>, vector<1x128xf32>
      %get3A_82 = arith.constant 0 : index
      %get3A_83 = arith.constant 0 : index
      %get3A_84 = vector.load %arg11[%get3A_82, %get3A_83] : memref<1x128xf32, #tpu.memory_space<vmem>>, vector<1x128xf32>
      %mul3A_85 = arith.constant 2.000000e+00 : f32
      %mul3A_86 = vector.broadcast %mul3A_85 : f32 to vector<1x128xf32>
      %mul3A_87 = arith.mulf %mul3A_86, %get3A_78 : vector<1x128xf32>
      %exp3A_88 = math.exp %mul3A_87 : vector<1x128xf32>
      %mul3A_89 = arith.constant 2.000000e+00 : f32
      %mul3A_90 = vector.broadcast %mul3A_89 : f32 to vector<1x128xf32>
      %mul3A_91 = arith.mulf %mul3A_90, %get3A_84 : vector<1x128xf32>
      %exp3A_92 = math.exp %mul3A_91 : vector<1x128xf32>
      %sub3A_93 = arith.subf %get3A_84, %get3A_78 : vector<1x128xf32>
      %sub3A_94 = arith.subf %get3A_75, %get3A_81 : vector<1x128xf32>
      %integer_pow3A_95 = arith.mulf %sub3A_94, %sub3A_94 : vector<1x128xf32>
      %add3A_96 = arith.addf %exp3A_88, %integer_pow3A_95 : vector<1x128xf32>
      %mul3A_97 = arith.constant 2.000000e+00 : f32
      %mul3A_98 = vector.broadcast %mul3A_97 : f32 to vector<1x128xf32>
      %mul3A_99 = arith.mulf %mul3A_98, %exp3A_92 : vector<1x128xf32>
      %div3A_100 = arith.divf %add3A_96, %mul3A_99 : vector<1x128xf32>
      %add3A_101 = arith.addf %sub3A_93, %div3A_100 : vector<1x128xf32>
      %sub3A_102 = arith.constant 5.000000e-01 : f32
      %sub3A_103 = vector.broadcast %sub3A_102 : f32 to vector<1x128xf32>
      %sub3A_104 = arith.subf %add3A_101, %sub3A_103 : vector<1x128xf32>
      %reduce_sum3A_105 = vector.shape_cast %sub3A_104 : vector<1x128xf32> to vector<1x1x128xf32>
      %reduce_sum3A_106 = arith.constant dense<0.000000e+00> : vector<1xf32>
      %reduce_sum3A_107 = vector.multi_reduction <add>, %reduce_sum3A_105, %reduce_sum3A_106 [1, 2] : vector<1x1x128xf32> to vector<1xf32>
      %reduce_sum3A_108 = vector.shape_cast %reduce_sum3A_107 : vector<1xf32> to vector<1x1x1xf32>
      %reduce_sum3A_109 = vector.extract %reduce_sum3A_108[0, 0, 0] : f32 from vector<1x1x1xf32>
      %add3A_110 = arith.addf %reduce_sum3A_72, %reduce_sum3A_109 : f32
      %broadcast_in_dim3A = vector.broadcast %add3A_110 : f32 to vector<1x1xf32>
      %swap3A_111 = arith.constant 0 : index
      %swap3A_112 = arith.constant 0 : index
      %swap3A_113 = vector.load %arg13[%swap3A_111, %swap3A_112] : memref<1x1xf32, #tpu.memory_space<vmem>>, vector<1x1xf32>
      tpu.vector_store %arg13[%swap3A_111, %swap3A_112], %broadcast_in_dim3A {strides = array<i32>} : memref<1x1xf32, #tpu.memory_space<vmem>>, vector<1x1xf32>,
    } else {
    }
    return
  }
  func.func @transform_0(%arg0: i32) -> (i32, i32, i32) {
    %c0_i32 = arith.constant 0 : i32
    %c0_i32_0 = arith.constant 0 : i32
    %c0_i32_1 = arith.constant 0 : i32
    return %c0_i32, %arg0, %c0_i32_0 : i32, i32, i32
  }
  func.func @transform_1(%arg0: i32) -> (i32, i32, i32) {
    %c0_i32 = arith.constant 0 : i32
    %c0_i32_0 = arith.constant 0 : i32
    %c0_i32_1 = arith.constant 0 : i32
    return %c0_i32, %arg0, %c0_i32_0 : i32, i32, i32
  }
  func.func @transform_2(%arg0: i32) -> (i32, i32) {
    %c0_i32 = arith.constant 0 : i32
    %c0_i32_0 = arith.constant 0 : i32
    %c0_i32_1 = arith.constant 0 : i32
    return %c0_i32, %c0_i32_0 : i32, i32
  }
  func.func @transform_3(%arg0: i32) -> (i32, i32) {
    %c0_i32 = arith.constant 0 : i32
    %c0_i32_0 = arith.constant 0 : i32
    %c0_i32_1 = arith.constant 0 : i32
    return %c0_i32, %c0_i32_0 : i32, i32
  }
  func.func @transform_4(%arg0: i32) -> (i32, i32) {
    %c0_i32 = arith.constant 0 : i32
    %c0_i32_0 = arith.constant 0 : i32
    %c0_i32_1 = arith.constant 0 : i32
    return %c0_i32, %c0_i32_0 : i32, i32
  }
  func.func @transform_5(%arg0: i32) -> (i32, i32) {
    %c0_i32 = arith.constant 0 : i32
    %c0_i32_0 = arith.constant 0 : i32
    %c0_i32_1 = arith.constant 0 : i32
    return %c0_i32, %c0_i32_0 : i32, i32
  }
  func.func @transform_6(%arg0: i32) -> (i32, i32) {
    %c0_i32 = arith.constant 0 : i32
    %c0_i32_0 = arith.constant 0 : i32
    %c0_i32_1 = arith.constant 0 : i32
    return %c0_i32, %c0_i32_0 : i32, i32
  }
  func.func @transform_7(%arg0: i32) -> (i32, i32) {
    %c0_i32 = arith.constant 0 : i32
    %c0_i32_0 = arith.constant 0 : i32
    %c0_i32_1 = arith.constant 0 : i32
    return %c0_i32, %c0_i32_0 : i32, i32
  }
  func.func @transform_8(%arg0: i32) -> (i32, i32) {
    %c0_i32 = arith.constant 0 : i32
    %c0_i32_0 = arith.constant 0 : i32
    %c0_i32_1 = arith.constant 0 : i32
    return %c0_i32, %c0_i32_0 : i32, i32
  }
  func.func @transform_9(%arg0: i32) -> (i32, i32) {
    %c0_i32 = arith.constant 0 : i32
    %c0_i32_0 = arith.constant 0 : i32
    %c0_i32_1 = arith.constant 0 : i32
    return %c0_i32, %c0_i32_0 : i32, i32
  }
  func.func @transform_10(%arg0: i32) -> (i32, i32) {
    %c0_i32 = arith.constant 0 : i32
    %c0_i32_0 = arith.constant 0 : i32
    %c0_i32_1 = arith.constant 0 : i32
    return %c0_i32, %c0_i32_0 : i32, i32
  }
  func.func @transform_11(%arg0: i32) -> (i32, i32) {
    %c0_i32 = arith.constant 0 : i32
    %c0_i32_0 = arith.constant 0 : i32
    return %arg0, %c0_i32 : i32, i32
  }
  func.func @transform_12(%arg0: i32) -> (i32, i32) {
    %c0_i32 = arith.constant 0 : i32
    %c0_i32_0 = arith.constant 0 : i32
    %c0_i32_1 = arith.constant 0 : i32
    return %c0_i32, %c0_i32_0 : i32, i32
  }
}

</mosaic_0001>

<sc_bundles>
// kernel: kernel.6.cloned.1.call-start
scs
__scs_entry_jumppad:
0x0: {  	(pc) =	sbr.rel $0x88, $3  }
0x1: {  	(tag) =	ssettag $0x0;
	lr =	simm.s32 $0x1  }
0x2: {  	[smem:$0x3F95] =	sst lr;
	_ =	strace $0xD0000000  }
0x3: {  	_ = 	snop  }
0x4: {  	_ = 	snop  }
0x5: {  	_ = 	snop  }
0x6: {  	_ = 	snop  }
0x7: {  	_ = 	snop  }
__scs_overlays_trampoline_lowered:
0x8: {  	[smem:$0x3FA4] =	sst s0  }
0x9: {  	[smem:$0x3FA5] =	sst s1  }
0xa: {  	[smem:$0x3FA6] =	sst s2  }
0xb: {  	[smem:$0x3FA7] =	sst s3  }
0xc: {  	[smem:$0x3FA8] =	sst s4  }
0xd: {  	[smem:$0x3FA9] =	sst s5  }
0xe: {  	[smem:$0x3FAA] =	sst s6  }
0xf: {  	[smem:$0x3FAB] =	sst s7  }
0x10: {  	[smem:$0x3FAC] =	sst s8  }
0x11: {  	[smem:$0x3FAD] =	sst s9;
	s0 =	simm.s32 @!p0 $0x0  }
0x12: {  	s1 =	sld [smem:$0x3F93];
	s0 =	simm.s32 @p0 $0x1  }
0x13: {  	[smem:$0x3FAE] =	sst s0;
	s0 =	simm.s32 @!p1 $0x0  }
0x14: {  	s2 =	sld [smem:$0x3F92];
	s0 =	simm.s32 @p1 $0x1  }
0x15: {  	[smem:$0x3FAF] =	sst s0;
	s0 =	simm.s32 @!p2 $0x0  }
0x16: {  	s3 =	sld [smem:$0x3FDB];
	s0 =	simm.s32 @p2 $0x1  }
0x17: {  	s4 =	simm.s32 $0x1BF5;
	[smem:$0x3FB1] =	sst s0  }
0x18: {  	s0 =	sld [smem:$0x3F94];
	_ =	swait.ge [sflag:s4], $0x0  }
0x19: {  	s7 =	sld [smem:$0x3F95]  }
0x1a: {  	s8 =	sadd.s32 $0xFFFFE003, lr  }
0x1b: {  	s9 =	sadd.s32 $0xFFFFFEF7, lr;
	s5 =	simm.s32 $0xFFFFFFFF;
	p2 =	slt.u32 s8, $0xFFFFF086  }
0x1c: {  	p1 =	slt.u32 s9, $0xF7A;
	s5 =	simm.s32 @!p2 $0x0  }
0x1d: {  	s5 =	simm.s32 @p1 $0x1;
	p0 =	seq.s32 s7, s2  }
0x1e: {  	s7 =	smul.u32 @!p0 $0xF7A, s2;
	p2 =	seq.s32 @!p0 s5, $0x0  }
0x1f: {  	s9 =	smul.u32 $0xF7A, s1;
	s8 =	simm.s32 @!p0 $0x1BF5;
	p2 =	por !p2, p0  }
0x20: {  	[sflag:s8] =	ssyncset.s32 @!p0 $0xFFFFF086;
	s6 =	sadd.s32 @!p0 s3, s7;
	s7 =	simm.s32 @!p0 $0x108  }
0x21: {  	s3 =	sadd.s32 s3, s9;
	s6 =	sadd.s32 @!p0 $0x88, s6;
	s7 =	simm.s32 @p2 $0x1082  }
0x22: {  	[simem:s7], [sflag:s8] =	dma.local @!p0 [hbm:s6], $0xF7A  }
0x23: {  	s9 =	sor.u32 $0xD0000000, s2;
	s6 =	simm.s32 $0x108;
	_ =	swait.ge @!p0 [sflag:s8], $0x0  }
0x24: {  	s3 =	sadd.s32 $0x88, s3;
	s6 =	simm.s32 @!p1 $0x1082;
	[sflag:s4] =	ssyncset.s32 $0xFFFFF086  }
0x25: {  	[simem:s6], [sflag:s4] =	dma.local [hbm:s3], $0xF7A  }
0x26: {  	[smem:$0x3F95] =	sst s1;
	(tag) =	ssettag s2;
	_ =	strace s9  }
0x27: {  	s1 =	sld [smem:$0x3FA5]  }
0x28: {  	s2 =	sld [smem:$0x3FA6]  }
0x29: {  	s4 =	sld [smem:$0x3FA8]  }
0x2a: {  	p0 =	seq.s32 s5, $0x0;
	s5 =	sld [smem:$0x3FA9]  }
0x2b: {  	s6 =	sld [smem:$0x3FAA]  }
0x2c: {  	s7 =	sld [smem:$0x3FAB]  }
0x2d: {  	s3 =	simm.s32 $0x108;
	s8 =	sld [smem:$0x3FAC]  }
0x2e: {  	s3 =	simm.s32 @!p0 $0x1082;
	s9 =	sld [smem:$0x3FAD]  }
0x2f: {  	lr =	sadd.s32 s0, s3;
	s0 =	sld [smem:$0x3FA4]  }
0x30: {  	s3 =	sld [smem:$0x3FA7]  }
0x31: {  	[smem:$0x3FB0] =	sst s10  }
0x32: {  	s10 =	sld [smem:$0x3FAE];
	_ =	sdelay $0x3  }
0x33: {  	p0 =	seq.s32 s10, $0x1;
	s10 =	sld [smem:$0x3FB0];
	_ =	sdelay $0x3  }
0x34: {  	[smem:$0x3FB0] =	sst s10  }
0x35: {  	s10 =	sld [smem:$0x3FAF];
	_ =	sdelay $0x3  }
0x36: {  	p1 =	seq.s32 s10, $0x1;
	s10 =	sld [smem:$0x3FB0];
	_ =	sdelay $0x3  }
0x37: {  	[smem:$0x3FB0] =	sst s10  }
0x38: {  	s10 =	sld [smem:$0x3FB1]  }
0x39: {  	_ = 	snop;
	(pc) =	sbr.ind lr, $3  }
0x3a: {  	_ = 	snop  }
0x3b: {  	_ = 	snop  }
0x3c: {  	p2 =	seq.s32 s10, $0x1;
	s10 =	sld [smem:$0x3FB0]  }
0x3d: {  	_ =	shalt  }
0x3e: {  	_ =	shalt  }
0x3f: {  	_ =	shalt  }
0x40: {  	_ =	shalt  }
0x41: {  	_ =	shalt  }
0x42: {  	_ =	shalt  }
0x43: {  	_ =	shalt  }
0x44: {  	_ =	shalt  }
0x45: {  	_ =	shalt  }
0x46: {  	_ =	shalt  }
0x47: {  	_ =	shalt  }
0x48: {  	_ =	shalt  }
0x49: {  	_ =	shalt  }
0x4a: {  	_ =	shalt  }
0x4b: {  	_ =	shalt  }
0x4c: {  	_ =	shalt  }
0x4d: {  	_ =	shalt  }
0x4e: {  	_ =	shalt  }
0x4f: {  	_ =	shalt  }
0x50: {  	_ =	shalt  }
0x51: {  	_ =	shalt  }
0x52: {  	_ =	shalt  }
0x53: {  	_ =	shalt  }
0x54: {  	_ =	shalt  }
0x55: {  	_ =	shalt  }
0x56: {  	_ =	shalt  }
0x57: {  	_ =	shalt  }
0x58: {  	_ =	shalt  }
0x59: {  	_ =	shalt  }
0x5a: {  	_ =	shalt  }
0x5b: {  	_ =	shalt  }
0x5c: {  	_ =	shalt  }
0x5d: {  	_ =	shalt  }
0x5e: {  	_ =	shalt  }
0x5f: {  	_ =	shalt  }
0x60: {  	_ =	shalt  }
0x61: {  	_ =	shalt  }
0x62: {  	_ =	shalt  }
0x63: {  	_ =	shalt  }
0x64: {  	_ =	shalt  }
0x65: {  	_ =	shalt  }
0x66: {  	_ =	shalt  }
0x67: {  	_ =	shalt  }
0x68: {  	_ =	shalt  }
0x69: {  	_ =	shalt  }
0x6a: {  	_ =	shalt  }
0x6b: {  	_ =	shalt  }
0x6c: {  	_ =	shalt  }
0x6d: {  	_ =	shalt  }
0x6e: {  	_ =	shalt  }
0x6f: {  	_ =	shalt  }
0x70: {  	_ =	shalt  }
0x71: {  	_ =	shalt  }
0x72: {  	_ =	shalt  }
0x73: {  	_ =	shalt  }
0x74: {  	_ =	shalt  }
0x75: {  	_ =	shalt  }
0x76: {  	_ =	shalt  }
0x77: {  	_ =	shalt  }
0x78: {  	_ =	shalt  }
0x79: {  	_ =	shalt  }
0x7a: {  	_ =	shalt  }
0x7b: {  	_ =	shalt  }
0x7c: {  	_ =	shalt  }
0x7d: {  	_ =	shalt  }
0x7e: {  	_ =	shalt  }
0x7f: {  	_ =	shalt  }
0x80: {  	_ =	shalt  }
0x81: {  	_ =	shalt  }
0x82: {  	_ =	shalt  }
0x83: {  	_ =	shalt  }
0x84: {  	_ =	shalt  }
0x85: {  	_ =	shalt  }
0x86: {  	_ =	shalt  }
0x87: {  	_ =	shalt  }
.Lfunc_end0:
.L_simem_size_0:
called_computation_lowered:
.L_overlay_start_0:
0x88: {  	s2 =	sld [smem:$0x3FD9]  }
0x89: {  	s3 =	sld [smem:$0x3FFE];
	_ =	sdelay $0x1  }
0x8a: {  	s1 =	srdreg.scid  }
0x8b: {  	s0 =	sand.u32 $0x1, s1  }
0x8c: {  	s14 =	sshll.u32 s0, $0xA;
	s2 =	sadd.s32 s3, s2  }
0x8d: {  	s2 =	sadd.s32 s2, s14  }
0x8e: {  	[smem:$0x3FBC] =	sst s2  }
0x8f: {  	_ = 	snop  }
0x90: {  	s2 =	sld [smem:$0x3FD0];
	_ =	sdelay $0x2  }
0x91: {  	s15 =	simm.s32 $0xA;
	s4 =	simm.s32 $0x10  }
0x92: {  	[smem:s4], [sflag:s15] =	dma.local [hbm:s2], $0x1  }
0x93: {  	_ =	swait.eq [sflag:s15], $0x1  }
0x94: {  	[sflag:s15] =	ssyncset.done $0x0  }
0x95: {  	[sflag:s15] =	ssyncadd.s32 $0xFFFFFFFF  }
0x96: {  	s16 =	sld [smem:$0x10];
	(tm) =	ssettm $0x1  }
0x97: {  	s17 =	sld [smem:$0x3FFB];
	_ =	sdelay $0x3  }
0x98: {  	_ =	strace s17  }
0x99: {  	s3 =	sld [smem:$0x3FFC];
	_ =	sdelay $0x3  }
0x9a: {  	_ =	strace s3  }
0x9b: {  	s3 =	sld [smem:$0x3FFD];
	_ =	sdelay $0x3  }
0x9c: {  	_ =	strace s3  }
0x9d: {  	_ =	strace $0x8FFFFFFF  }
0x9e: {  	s18 =	sld [smem:$0x3FDB];
	_ =	sdelay $0x1  }
0x9f: {  	s19 =	simm.s32 $_scs_section_size  }
0xa0: {  	s5 =	simm.s32 $_size__tile_overlayer_lowered;
	s6 =	simm.s32 $_tile_overlayer_lowered  }
0xa1: {  	s22 =	simm.s32 $0x1BFF;
	s21 =	sshll.u32 s6, $0x1;
	s3 =	sadd.s32 s19, s18  }
0xa2: {  	s7 =	simm.s32 $0x0;
	s20 =	sshll.u32 s5, $0x1;
	s5 =	sadd.s32 s21, s3  }
0xa3: {  	[timem:s7], [sflag:s22] =	dma.local [hbm:s5], s20  }
0xa4: {  	_ =	swait.ge [sflag:s22], s20  }
0xa5: {  	s4 =	ssub.s32 $0x0, s20;
	[sflag:s22] =	ssyncset.done $0x0  }
0xa6: {  	[sflag:s22] =	ssyncadd.s32 s4;
	_ =	sdelay $0x1  }
0xa7: {  	s23 =	simm.s32 $0x1B8B  }
0xa8: {  	_ =	swait.ge [sflag:s23], $0x1  }
0xa9: {  	[sflag:s23] =	ssyncset.done $0x0  }
0xaa: {  	s25 =	simm.s32 $0x1B8E;
	s24 =	sld [smem:$0x3FFE];
	[sflag:s23] =	ssyncadd.s32 $0xFFFFFFFF  }
0xab: {  	s26 =	simm.s32 $execute0_lowered;
	[smem:$0x3FD2] =	sst s25  }
0xac: {  	s5 =	sshll.u32 s26, $0x1;
	_ =	strace $0x80000046;
	[dreg:$0x1] =	wrdreg $0xFFFFFFFF  }
0xad: {  	s28 =	simm.s32 $_size_execute0_lowered;
	s3 =	sadd.s32 s3, s5;
	[dreg:$0x0] =	wrdreg $0x0  }
0xae: {  	s5 =	sshll.u32 s28, $0x1;
	[dreg:$0x2] =	wrdreg s3  }
0xaf: {  	[dreg:$0x3] =	wrdreg s5  }
0xb0: {  	[dreg:$0x4] =	wrdreg $0xC0  }
0xb1: {  	_ =	task [dreg:s7], $0x5FFFF  }
0xb2: {  	[dreg:$0x1] =	wrdreg $0xFFFFFFFF  }
0xb3: {  	[dreg:$0x0] =	wrdreg $0x60  }
0xb4: {  	[dreg:$0x2] =	wrdreg s16  }
0xb5: {  	[dreg:$0x3] =	wrdreg s24  }
0xb6: {  	[dreg:$0x4] =	wrdreg $0x50800  }
0xb7: {  	[dreg:$0x5] =	wrdreg $0x53000  }
0xb8: {  	[dreg:$0x6] =	wrdreg $0x9  }
0xb9: {  	_ =	task.clear_ibuf [dreg:s7], $0x7FFFF;
	_ =	strace $0x90000046  }
0xba: {  	s29 =	simm.s32 $0x9;
	_ =	strace $0x80000048  }
0xbb: {  	_ =	swait.ge [sflag:s29], $0x1  }
0xbc: {  	[sflag:s29] =	ssyncadd.s32 $0xFFFFFFFF  }
0xbd: {  	_ =	strace $0x90000048  }
0xbe: {  	_ =	sfence  }
0xbf: {  	s30 =	sld [smem:$0x0];
	_ =	sdelay $0x2  }
0xc0: {  	s31 =	sshll.u32 s1, $0xD;
	s1 =	sshrl.u32 s1, $0x2  }
0xc1: {  	s3 =	sand.u32 $0x4000, s31;
	s1 =	sadd.s32 s1, s30  }
0xc2: {  	s0 =	sor.u32 s3, s0;
	s1 =	sshll.u32 s1, $0x11  }
0xc3: {  	s0 =	sor.u32 s1, s0  }
0xc4: {  	s0 =	sadd.s32 $0x8F2B, s0  }
0xc5: {  	[sflag:s0] =	ssyncadd.remote.s32 $0x1  }
0xc6: {  	_ =	sfence.sel $0xFFFF  }
0xc7: {  	[dreg:$0x0] =	wrdreg $0xFFFFFFFF;
	(pc) =	sbr.abs _section_cstart, $3  }
0xc8: {  	[dreg:$0x1] =	wrdreg $0xFFFFFFFF  }
0xc9: {  	_ =	task.clear_ibuf [dreg:s7], $0x2FFFF;
	_ =	strace $0x9FFFFFFF  }
0xca: {  	(tm) =	ssettm $0x7FFFFFFF  }
0xcb: {  	_ =	shalt  }
tec
execute0_lowered:
.L_overlay_start_1:
0x0: {  	(tag) =	ssettag $0x1  }
0x1: {  	s5 =	rddreg [dreg:$0x0]  }
0x2: {  	s6 =	rddreg [dreg:$0x1]  }
0x3: {  	s0 =	rddreg [dreg:$0x2];
	s1 =	srdreg.scid  }
0x4: {  	s10 =	stileid.u32;
	s2 =	rddreg [dreg:$0x3]  }
0x5: {  	s3 =	simm.s32 $0x0;
	s12 =	simm.s32 $0x3;
	s13 =	simm.s32 $0x2800  }
0x6: {  	s14 =	simm.s32 $0x80;
	s15 =	simm.s32 $0x5000;
	s16 =	simm.s32 $0x1  }
0x7: {  	s17 =	simm.s32 $0x2;
	s7 =	sand.u32 $0x1, s1;
	s1 =	rddreg [dreg:$0x4]  }
0x8: {  	s18 =	simm.s32 $0x0;
	s4 =	sshll.u32 s10, $0x1;
	[smem:$0x7FF] =	sst s3  }
0x9: {  	p0 =	sne.s32 s10, $0x0;
	s4 =	sor.u32 s7, s4;
	s9 =	smul.u32 $0xA00, s7  }
0xa: {  	_ =	strace $0x80000047;
	s7 =	ssub.s32 $0x2, s7;
	s8 =	smul.u32 $0x2800, s4  }
0xb: {  	s10 =	sshrl.u32 @!p0 s0, $0x3;
	s4 =	sadd.s32 $0x2200, s6;
	s31 =	sshrl.u32 s7, $0x1  }
0xc: {  	s9 =	sadd.s32 s9, s6;
	s11 =	ssub.s32 s7, s31;
	s8 =	sshrl.u32 s8, $0x3  }
0xd: {  	s7 =	sadd.s32 $0x2800, s9;
	s5 =	sadd.s32 s5, s8;
	s8 =	sadd.s32 $0x2810, s9  }
0xe: {  	v0 =	vimm.f32 $1.000000000e+00;
	s9 =	smax.u32 s11, $0x1;
	s11 =	sshrl.u32 @!p0 s2, $0x3;
	s6 =	sadd.s32 $0xA000, s5  }
.LBB2_1:
0xf: {  	[tilespmem:$0x5000] =	vst v0  }
0x10: {  	[tilespmem:$0x5010] =	vst v0  }
0x11: {  	[tilespmem:$0x5020] =	vst v0  }
0x12: {  	[tilespmem:$0x5030] =	vst v0  }
0x13: {  	[tilespmem:$0x5040] =	vst v0  }
0x14: {  	[tilespmem:$0x5050] =	vst v0  }
0x15: {  	[tilespmem:$0x5060] =	vst v0  }
0x16: {  	[tilespmem:$0x5070] =	vst v0;
	s19 =	simm.s32 @!p0 $0x1C03;
	s20 =	simm.s32 @!p0 $0x3  }
0x17: {  	[spmem:s10], [sflag:s19] =	dma.local @!p0 [hbm:s4], $0x500  }
0x18: {  	_ =	swait.ge @!p0 [sflag:s20], $0x500  }
0x19: {  	[sflag:s20] =	ssyncset.done @!p0 $0x0  }
0x1a: {  	[sflag:s20] =	ssyncadd.s32 @!p0 $0xFFFFFB00  }
0x1b: {  	[spmem:s11], [sflag:s19] =	dma.local @!p0 [hbm:s4], $0x500  }
0x1c: {  	_ =	swait.ge @!p0 [sflag:s20], $0x500  }
0x1d: {  	[sflag:s20] =	ssyncset.done @!p0 $0x0  }
0x1e: {  	[sflag:s20] =	ssyncadd.s32 @!p0 $0xFFFFFB00  }
0x1f: {  	[tilespmem:s3], [sflag:$0x3] =	stream.linear.gather [hbm4b:s5+s3], $0x2800, $0x38;
	[tilespmem:$0x5580] =	vst v63  }
0x20: {  	_ =	swait.ge [sflag:s12], $0x2800  }
0x21: {  	[sflag:s12] =	ssyncset.done $0x0  }
0x22: {  	[sflag:s12] =	ssyncadd.s32 $0xFFFFD800  }
0x23: {  	[tilespmem:s13], [sflag:$0x3] =	stream.linear.gather [hbm4b:s6+s3], $0x2800, $0x38;
	[tilespmem:$0x5580] =	vst v63  }
0x24: {  	_ =	swait.ge [sflag:s12], $0x2800  }
0x25: {  	[sflag:s12] =	ssyncset.done $0x0  }
0x26: {  	[sflag:s12] =	ssyncadd.s32 $0xFFFFD800  }
0x27: {  	s30 =	simm.s32 $0x0;
	[bflag:$0x0] =	sbarrier.arrive $0xFFFF  }
0x28: {  	[spmem:s0] =	stream.indirect.scatter.add.f32 [tilespmem:s15], [sflag:$0x1], $0x1, s30, s14, $0xb8;
	[tilespmem:$0x5580] =	vst v63  }
0x29: {  	s31 =	simm.s32 $0x2800  }
0x2a: {  	[spmem:s2] =	stream.indirect.scatter.add.f32 [tilespmem:s15], [sflag:$0x2], $0x1, s31, s14, $0xb8;
	[tilespmem:$0x5580] =	vst v63  }
0x2b: {  	_ =	swait.ge [sflag:s16], $0x80  }
0x2c: {  	[sflag:s16] =	ssyncset.done $0x0  }
0x2d: {  	[sflag:s16] =	ssyncadd.s32 $0xFFFFFF80  }
0x2e: {  	_ =	swait.ge [sflag:s17], $0x80  }
0x2f: {  	s19 =	simm.s32 $0x200;
	s20 =	simm.s32 $0x400;
	[sflag:s17] =	ssyncset.done $0x0  }
.LBB2_2:
0x30: {  	s21 =	sshra.s32 s19, $0x2  }
0x31: {  	[sflag:s17] =	ssyncadd.s32 $0xFFFFFF80;
	s19 =	smov.u32 s20;
	s22 =	sadd.s32 $0x200, s20  }
0x32: {  	[spmem:s0] =	stream.indirect.scatter.add.f32 [tilespmem:s15], [sflag:$0x1], $0x1, s21, s14, $0xb8;
	[tilespmem:$0x5580] =	vst v63  }
0x33: {  	p1 =	sne.s32 s20, $0x9E00;
	s20 =	sadd.s32 $0x2800, s21  }
0x34: {  	[spmem:s2] =	stream.indirect.scatter.add.f32 [tilespmem:s15], [sflag:$0x2], $0x1, s20, s14, $0xb8;
	[tilespmem:$0x5580] =	vst v63  }
.Ltmp0:
0x35: {  	_ =	swait.ge [sflag:s16], $0x80;
	(pc) =	sbr.rel @p1 .LBB2_2-.Ltmp0, $4  }
0x36: {  	[sflag:s16] =	ssyncset.done $0x0  }
0x37: {  	[sflag:s16] =	ssyncadd.s32 $0xFFFFFF80  }
0x38: {  	_ =	swait.ge [sflag:s17], $0x80  }
0x39: {  	s20 =	smov.u32 s22;
	[sflag:s17] =	ssyncset.done $0x0  }
0x3a: {  	s19 =	sshra.s32 s19, $0x2;
	[sflag:s17] =	ssyncadd.s32 $0xFFFFFF80  }
0x3b: {  	[spmem:s0] =	stream.indirect.scatter.add.f32 [tilespmem:s15], [sflag:$0x1], $0x1, s19, s14, $0xb8;
	[tilespmem:$0x5580] =	vst v63  }
0x3c: {  	s19 =	sadd.s32 $0x2800, s19  }
0x3d: {  	[spmem:s2] =	stream.indirect.scatter.add.f32 [tilespmem:s15], [sflag:$0x2], $0x1, s19, s14, $0xb8;
	[tilespmem:$0x5580] =	vst v63  }
0x3e: {  	_ =	swait.ge [sflag:s16], $0x80  }
0x3f: {  	[sflag:s16] =	ssyncset.done $0x0  }
0x40: {  	[sflag:s16] =	ssyncadd.s32 $0xFFFFFF80  }
0x41: {  	_ =	swait.ge [sflag:s17], $0x80  }
0x42: {  	s20 =	simm.s32 @!p0 $0x20;
	[sflag:s17] =	ssyncset.done $0x0  }
0x43: {  	s21 =	simm.s32 @!p0 $0x10;
	s22 =	simm.s32 @!p0 $0x1C03;
	[sflag:s17] =	ssyncadd.s32 $0xFFFFFF80  }
0x44: {  	s23 =	simm.s32 @!p0 $0x3;
	s19 =	simm.s32 @!p0 $0x1;
	[bflag:$0x0] =	sbarrier.arrive $0xFFFF  }
0x45: {  	[hbm:s7@s20], [sflag:s22] =	dma.strided @!p0 [spmem:s10@s21], $0x500, s19, $0x10   }
0x46: {  	s18 =	sadd.s32 $0x1, s18;
	_ =	swait.ge @!p0 [sflag:s23], $0x500  }
0x47: {  	p1 =	sne.s32 s18, s9;
	[sflag:s23] =	ssyncset.done @!p0 $0x0  }
.Ltmp1:
0x48: {  	[sflag:s23] =	ssyncadd.s32 @!p0 $0xFFFFFB00;
	(pc) =	sbr.rel @p1 .LBB2_1-.Ltmp1, $4  }
0x49: {  	[hbm:s8@s20], [sflag:s22] =	dma.strided @!p0 [spmem:s11@s21], $0x500, s19, $0x10   }
0x4a: {  	_ =	swait.ge @!p0 [sflag:s23], $0x500  }
0x4b: {  	[sflag:s23] =	ssyncset.done @!p0 $0x0  }
0x4c: {  	[sflag:s23] =	ssyncadd.s32 @!p0 $0xFFFFFB00  }
0x4d: {  	_ =	sfence.sel $0x180000  }
0x4e: {  	[bflag:$0x0] =	sbarrier.arrive $0xFFFF  }
0x4f: {  	_ =	strace $0x90000047  }
0x50: {  	s0 =	sadd.s32 @!p0 $0x100000, s1;
	[bflag:$0x2] =	sbarrier.arrive $0xFFFF  }
0x51: {  	[sflag:s0] =	ssyncadd.tile.s32 @!p0 $0x1;
	_ =	shalt  }
.Lfunc_end2:
_tile_overlayer_lowered:
.L_overlay_start_2:
0x52: {  	(tag) =	ssettag $0x2  }
0x53: {  	s0 =	rddreg [dreg:$0x0];
	s2 =	stileid.u32  }
0x54: {  	s1 =	rddreg [dreg:$0x1];
	p0 =	sne.s32 s2, $0x0  }
0x55: {  	s3 =	rddreg [dreg:$0x2];
	[bflag:$0x3] =	sbarrier.arrive $0xFFFF;
	s2 =	simm.s32 @!p0 $0x1C03  }
0x56: {  	[timem:s3], [sflag:s2] =	dma.local @!p0 [hbm:s0], s1  }
0x57: {  	s0 =	simm.s32 @!p0 $0x3  }
0x58: {  	_ =	swait.ge @!p0 [sflag:s0], s1  }
0x59: {  	s1 =	ssub.s32 @!p0 $0x0, s1;
	[sflag:s0] =	ssyncset.done @!p0 $0x0  }
0x5a: {  	[sflag:s0] =	ssyncadd.s32 @!p0 s1  }
0x5b: {  	[bflag:$0x3] =	sbarrier.arrive $0xFFFF  }
0x5c: {  	_ =	shalt  }

// kernel: kernel.9.cloned.1.call-start
scs
__scs_entry_jumppad:
0x0: {  	(pc) =	sbr.rel $0x88, $3  }
0x1: {  	(tag) =	ssettag $0x0;
	lr =	simm.s32 $0x1  }
0x2: {  	[smem:$0x3F95] =	sst lr;
	_ =	strace $0xD0000000  }
0x3: {  	_ = 	snop  }
0x4: {  	_ = 	snop  }
0x5: {  	_ = 	snop  }
0x6: {  	_ = 	snop  }
0x7: {  	_ = 	snop  }
__scs_overlays_trampoline_lowered:
0x8: {  	[smem:$0x3FA4] =	sst s0  }
0x9: {  	[smem:$0x3FA5] =	sst s1  }
0xa: {  	[smem:$0x3FA6] =	sst s2  }
0xb: {  	[smem:$0x3FA7] =	sst s3  }
0xc: {  	[smem:$0x3FA8] =	sst s4  }
0xd: {  	[smem:$0x3FA9] =	sst s5  }
0xe: {  	[smem:$0x3FAA] =	sst s6  }
0xf: {  	[smem:$0x3FAB] =	sst s7  }
0x10: {  	[smem:$0x3FAC] =	sst s8  }
0x11: {  	[smem:$0x3FAD] =	sst s9;
	s0 =	simm.s32 @!p0 $0x0  }
0x12: {  	s1 =	sld [smem:$0x3F93];
	s0 =	simm.s32 @p0 $0x1  }
0x13: {  	[smem:$0x3FAE] =	sst s0;
	s0 =	simm.s32 @!p1 $0x0  }
0x14: {  	s2 =	sld [smem:$0x3F92];
	s0 =	simm.s32 @p1 $0x1  }
0x15: {  	[smem:$0x3FAF] =	sst s0;
	s0 =	simm.s32 @!p2 $0x0  }
0x16: {  	s3 =	sld [smem:$0x3FDB];
	s0 =	simm.s32 @p2 $0x1  }
0x17: {  	s4 =	simm.s32 $0x1BF5;
	[smem:$0x3FB1] =	sst s0  }
0x18: {  	s0 =	sld [smem:$0x3F94];
	_ =	swait.ge [sflag:s4], $0x0  }
0x19: {  	s7 =	sld [smem:$0x3F95]  }
0x1a: {  	s8 =	sadd.s32 $0xFFFFE003, lr  }
0x1b: {  	s9 =	sadd.s32 $0xFFFFFEF7, lr;
	s5 =	simm.s32 $0xFFFFFFFF;
	p2 =	slt.u32 s8, $0xFFFFF086  }
0x1c: {  	p1 =	slt.u32 s9, $0xF7A;
	s5 =	simm.s32 @!p2 $0x0  }
0x1d: {  	s5 =	simm.s32 @p1 $0x1;
	p0 =	seq.s32 s7, s2  }
0x1e: {  	s7 =	smul.u32 @!p0 $0xF7A, s2;
	p2 =	seq.s32 @!p0 s5, $0x0  }
0x1f: {  	s9 =	smul.u32 $0xF7A, s1;
	s8 =	simm.s32 @!p0 $0x1BF5;
	p2 =	por !p2, p0  }
0x20: {  	[sflag:s8] =	ssyncset.s32 @!p0 $0xFFFFF086;
	s6 =	sadd.s32 @!p0 s3, s7;
	s7 =	simm.s32 @!p0 $0x108  }
0x21: {  	s3 =	sadd.s32 s3, s9;
	s6 =	sadd.s32 @!p0 $0x88, s6;
	s7 =	simm.s32 @p2 $0x1082  }
0x22: {  	[simem:s7], [sflag:s8] =	dma.local @!p0 [hbm:s6], $0xF7A  }
0x23: {  	s9 =	sor.u32 $0xD0000000, s2;
	s6 =	simm.s32 $0x108;
	_ =	swait.ge @!p0 [sflag:s8], $0x0  }
0x24: {  	s3 =	sadd.s32 $0x88, s3;
	s6 =	simm.s32 @!p1 $0x1082;
	[sflag:s4] =	ssyncset.s32 $0xFFFFF086  }
0x25: {  	[simem:s6], [sflag:s4] =	dma.local [hbm:s3], $0xF7A  }
0x26: {  	[smem:$0x3F95] =	sst s1;
	(tag) =	ssettag s2;
	_ =	strace s9  }
0x27: {  	s1 =	sld [smem:$0x3FA5]  }
0x28: {  	s2 =	sld [smem:$0x3FA6]  }
0x29: {  	s4 =	sld [smem:$0x3FA8]  }
0x2a: {  	p0 =	seq.s32 s5, $0x0;
	s5 =	sld [smem:$0x3FA9]  }
0x2b: {  	s6 =	sld [smem:$0x3FAA]  }
0x2c: {  	s7 =	sld [smem:$0x3FAB]  }
0x2d: {  	s3 =	simm.s32 $0x108;
	s8 =	sld [smem:$0x3FAC]  }
0x2e: {  	s3 =	simm.s32 @!p0 $0x1082;
	s9 =	sld [smem:$0x3FAD]  }
0x2f: {  	lr =	sadd.s32 s0, s3;
	s0 =	sld [smem:$0x3FA4]  }
0x30: {  	s3 =	sld [smem:$0x3FA7]  }
0x31: {  	[smem:$0x3FB0] =	sst s10  }
0x32: {  	s10 =	sld [smem:$0x3FAE];
	_ =	sdelay $0x3  }
0x33: {  	p0 =	seq.s32 s10, $0x1;
	s10 =	sld [smem:$0x3FB0];
	_ =	sdelay $0x3  }
0x34: {  	[smem:$0x3FB0] =	sst s10  }
0x35: {  	s10 =	sld [smem:$0x3FAF];
	_ =	sdelay $0x3  }
0x36: {  	p1 =	seq.s32 s10, $0x1;
	s10 =	sld [smem:$0x3FB0];
	_ =	sdelay $0x3  }
0x37: {  	[smem:$0x3FB0] =	sst s10  }
0x38: {  	s10 =	sld [smem:$0x3FB1]  }
0x39: {  	_ = 	snop;
	(pc) =	sbr.ind lr, $3  }
0x3a: {  	_ = 	snop  }
0x3b: {  	_ = 	snop  }
0x3c: {  	p2 =	seq.s32 s10, $0x1;
	s10 =	sld [smem:$0x3FB0]  }
0x3d: {  	_ =	shalt  }
0x3e: {  	_ =	shalt  }
0x3f: {  	_ =	shalt  }
0x40: {  	_ =	shalt  }
0x41: {  	_ =	shalt  }
0x42: {  	_ =	shalt  }
0x43: {  	_ =	shalt  }
0x44: {  	_ =	shalt  }
0x45: {  	_ =	shalt  }
0x46: {  	_ =	shalt  }
0x47: {  	_ =	shalt  }
0x48: {  	_ =	shalt  }
0x49: {  	_ =	shalt  }
0x4a: {  	_ =	shalt  }
0x4b: {  	_ =	shalt  }
0x4c: {  	_ =	shalt  }
0x4d: {  	_ =	shalt  }
0x4e: {  	_ =	shalt  }
0x4f: {  	_ =	shalt  }
0x50: {  	_ =	shalt  }
0x51: {  	_ =	shalt  }
0x52: {  	_ =	shalt  }
0x53: {  	_ =	shalt  }
0x54: {  	_ =	shalt  }
0x55: {  	_ =	shalt  }
0x56: {  	_ =	shalt  }
0x57: {  	_ =	shalt  }
0x58: {  	_ =	shalt  }
0x59: {  	_ =	shalt  }
0x5a: {  	_ =	shalt  }
0x5b: {  	_ =	shalt  }
0x5c: {  	_ =	shalt  }
0x5d: {  	_ =	shalt  }
0x5e: {  	_ =	shalt  }
0x5f: {  	_ =	shalt  }
0x60: {  	_ =	shalt  }
0x61: {  	_ =	shalt  }
0x62: {  	_ =	shalt  }
0x63: {  	_ =	shalt  }
0x64: {  	_ =	shalt  }
0x65: {  	_ =	shalt  }
0x66: {  	_ =	shalt  }
0x67: {  	_ =	shalt  }
0x68: {  	_ =	shalt  }
0x69: {  	_ =	shalt  }
0x6a: {  	_ =	shalt  }
0x6b: {  	_ =	shalt  }
0x6c: {  	_ =	shalt  }
0x6d: {  	_ =	shalt  }
0x6e: {  	_ =	shalt  }
0x6f: {  	_ =	shalt  }
0x70: {  	_ =	shalt  }
0x71: {  	_ =	shalt  }
0x72: {  	_ =	shalt  }
0x73: {  	_ =	shalt  }
0x74: {  	_ =	shalt  }
0x75: {  	_ =	shalt  }
0x76: {  	_ =	shalt  }
0x77: {  	_ =	shalt  }
0x78: {  	_ =	shalt  }
0x79: {  	_ =	shalt  }
0x7a: {  	_ =	shalt  }
0x7b: {  	_ =	shalt  }
0x7c: {  	_ =	shalt  }
0x7d: {  	_ =	shalt  }
0x7e: {  	_ =	shalt  }
0x7f: {  	_ =	shalt  }
0x80: {  	_ =	shalt  }
0x81: {  	_ =	shalt  }
0x82: {  	_ =	shalt  }
0x83: {  	_ =	shalt  }
0x84: {  	_ =	shalt  }
0x85: {  	_ =	shalt  }
0x86: {  	_ =	shalt  }
0x87: {  	_ =	shalt  }
.Lfunc_end0:
.L_simem_size_0:
called_computation.1_lowered:
.L_overlay_start_0:
0x88: {  	s2 =	sld [smem:$0x3FD9]  }
0x89: {  	s3 =	sld [smem:$0x3FFE];
	_ =	sdelay $0x1  }
0x8a: {  	s1 =	srdreg.scid  }
0x8b: {  	s0 =	sand.u32 $0x1, s1  }
0x8c: {  	s14 =	sshll.u32 s0, $0xA;
	s2 =	sadd.s32 s3, s2  }
0x8d: {  	s2 =	sadd.s32 s2, s14  }
0x8e: {  	[smem:$0x3FBC] =	sst s2  }
0x8f: {  	_ = 	snop  }
0x90: {  	s2 =	sld [smem:$0x3FD0];
	_ =	sdelay $0x2  }
0x91: {  	s15 =	simm.s32 $0xA;
	s4 =	simm.s32 $0x10  }
0x92: {  	[smem:s4], [sflag:s15] =	dma.local [hbm:s2], $0x1  }
0x93: {  	_ =	swait.eq [sflag:s15], $0x1  }
0x94: {  	[sflag:s15] =	ssyncset.done $0x0  }
0x95: {  	[sflag:s15] =	ssyncadd.s32 $0xFFFFFFFF  }
0x96: {  	s16 =	sld [smem:$0x10];
	(tm) =	ssettm $0x1  }
0x97: {  	s17 =	sld [smem:$0x3FFB];
	_ =	sdelay $0x3  }
0x98: {  	_ =	strace s17  }
0x99: {  	s3 =	sld [smem:$0x3FFC];
	_ =	sdelay $0x3  }
0x9a: {  	_ =	strace s3  }
0x9b: {  	s3 =	sld [smem:$0x3FFD];
	_ =	sdelay $0x3  }
0x9c: {  	_ =	strace s3  }
0x9d: {  	_ =	strace $0x8FFFFFFF  }
0x9e: {  	s18 =	sld [smem:$0x3FDB];
	_ =	sdelay $0x1  }
0x9f: {  	s19 =	simm.s32 $_scs_section_size  }
0xa0: {  	s5 =	simm.s32 $_size__tile_overlayer_lowered;
	s6 =	simm.s32 $_tile_overlayer_lowered  }
0xa1: {  	s22 =	simm.s32 $0x1BFF;
	s21 =	sshll.u32 s6, $0x1;
	s3 =	sadd.s32 s19, s18  }
0xa2: {  	s7 =	simm.s32 $0x0;
	s20 =	sshll.u32 s5, $0x1;
	s5 =	sadd.s32 s21, s3  }
0xa3: {  	[timem:s7], [sflag:s22] =	dma.local [hbm:s5], s20  }
0xa4: {  	_ =	swait.ge [sflag:s22], s20  }
0xa5: {  	s4 =	ssub.s32 $0x0, s20;
	[sflag:s22] =	ssyncset.done $0x0  }
0xa6: {  	[sflag:s22] =	ssyncadd.s32 s4;
	_ =	sdelay $0x1  }
0xa7: {  	s23 =	simm.s32 $0x1B8B  }
0xa8: {  	_ =	swait.ge [sflag:s23], $0x1  }
0xa9: {  	[sflag:s23] =	ssyncset.done $0x0  }
0xaa: {  	s25 =	simm.s32 $0x1B8E;
	s24 =	sld [smem:$0x3FFE];
	[sflag:s23] =	ssyncadd.s32 $0xFFFFFFFF  }
0xab: {  	s26 =	simm.s32 $execute0_lowered;
	[smem:$0x3FD2] =	sst s25  }
0xac: {  	s5 =	sshll.u32 s26, $0x1;
	_ =	strace $0x80000049;
	[dreg:$0x1] =	wrdreg $0xFFFFFFFF  }
0xad: {  	s28 =	simm.s32 $_size_execute0_lowered;
	s3 =	sadd.s32 s3, s5;
	[dreg:$0x0] =	wrdreg $0x0  }
0xae: {  	s5 =	sshll.u32 s28, $0x1;
	[dreg:$0x2] =	wrdreg s3  }
0xaf: {  	[dreg:$0x3] =	wrdreg s5  }
0xb0: {  	[dreg:$0x4] =	wrdreg $0xC0  }
0xb1: {  	_ =	task [dreg:s7], $0x5FFFF  }
0xb2: {  	[dreg:$0x1] =	wrdreg $0xFFFFFFFF  }
0xb3: {  	[dreg:$0x0] =	wrdreg $0x60  }
0xb4: {  	[dreg:$0x2] =	wrdreg s24  }
0xb5: {  	[dreg:$0x3] =	wrdreg s16  }
0xb6: {  	[dreg:$0x4] =	wrdreg $0xA8000  }
0xb7: {  	[dreg:$0x5] =	wrdreg $0x9  }
0xb8: {  	_ =	task.clear_ibuf [dreg:s7], $0x6FFFF;
	_ =	strace $0x90000049  }
0xb9: {  	s29 =	simm.s32 $0x9;
	_ =	strace $0x8000004B  }
0xba: {  	_ =	swait.ge [sflag:s29], $0x1  }
0xbb: {  	[sflag:s29] =	ssyncadd.s32 $0xFFFFFFFF  }
0xbc: {  	_ =	strace $0x9000004B  }
0xbd: {  	_ =	sfence  }
0xbe: {  	s30 =	sld [smem:$0x0];
	_ =	sdelay $0x2  }
0xbf: {  	s31 =	sshll.u32 s1, $0xD;
	s1 =	sshrl.u32 s1, $0x2  }
0xc0: {  	s3 =	sand.u32 $0x4000, s31;
	s1 =	sadd.s32 s1, s30  }
0xc1: {  	s0 =	sor.u32 s3, s0;
	s1 =	sshll.u32 s1, $0x11  }
0xc2: {  	s0 =	sor.u32 s1, s0  }
0xc3: {  	s0 =	sadd.s32 $0x8F2B, s0  }
0xc4: {  	[sflag:s0] =	ssyncadd.remote.s32 $0x1  }
0xc5: {  	_ =	sfence.sel $0xFFFF  }
0xc6: {  	[dreg:$0x0] =	wrdreg $0xFFFFFFFF;
	(pc) =	sbr.abs _section_cstart, $3  }
0xc7: {  	[dreg:$0x1] =	wrdreg $0xFFFFFFFF  }
0xc8: {  	_ =	task.clear_ibuf [dreg:s7], $0x2FFFF;
	_ =	strace $0x9FFFFFFF  }
0xc9: {  	(tm) =	ssettm $0x7FFFFFFF  }
tec
execute0_lowered:
.L_overlay_start_1:
0x0: {  	(tag) =	ssettag $0x1  }
0x1: {  	s6 =	rddreg [dreg:$0x0]  }
0x2: {  	s7 =	rddreg [dreg:$0x1]  }
0x3: {  	s1 =	rddreg [dreg:$0x2]  }
0x4: {  	s2 =	srdreg.scid;
	s0 =	rddreg [dreg:$0x3]  }
0x5: {  	s3 =	simm.s32 $0x0;
	s15 =	simm.s32 $0x2800;
	s16 =	simm.s32 $0x1  }
0x6: {  	s17 =	simm.s32 $0x80;
	s18 =	simm.s32 $0x2;
	s19 =	simm.s32 $0x2780  }
0x7: {  	s20 =	simm.s32 $0x6800;
	s5 =	sand.u32 $0x1, s2;
	s2 =	stileid.u32  }
0x8: {  	s21 =	simm.s32 $0x0;
	[smem:$0x7FF] =	sst s3;
	s8 =	smul.u32 $0x140000, s5  }
0x9: {  	s4 =	sadd.s32 $0x2200, s6;
	s9 =	smul.u32 $0x14000, s2;
	_ =	strace $0x8000004A  }
0xa: {  	s10 =	sshll.u32 s2, $0x1;
	s26 =	smul.u32 $0x50000, s2;
	s11 =	ssub.s32 $0x2, s5  }
0xb: {  	s31 =	sshll.u32 s2, $0x6;
	s25 =	sor.u32 s5, s10;
	s5 =	sadd.s32 $0x2A200, s6  }
0xc: {  	s28 =	sshrl.u32 s11, $0x1;
	s8 =	sadd.s32 s9, s8;
	s9 =	smul.u32 $0x2800, s25  }
0xd: {  	s13 =	ssub.s32 s11, s28;
	s29 =	sshrl.u32 s26, $0x2;
	s8 =	sshrl.u32 s8, $0x3  }
0xe: {  	s14 =	sadd.s32 s29, s1;
	s12 =	sadd.s32 s8, s6;
	s30 =	sshrl.u32 s9, $0x3  }
0xf: {  	s6 =	sadd.s32 s7, s30;
	s7 =	sor.u32 $0x1C03, s31;
	s11 =	sadd.s32 $0x2CA00, s12  }
0x10: {  	s12 =	smax.u32 s13, $0x1;
	s13 =	sshrl.u32 s14, $0x3;
	s14 =	simm.s32 $0x3  }
0x11: {  	s8 =	sadd.s32 $0xA000, s6;
	s9 =	sadd.s32 $0x280, s6;
	s10 =	sadd.s32 $0xA280, s6  }
.LBB2_1:
0x12: {  	[spmem:s13], [sflag:s7] =	dma.local [hbm:s5], $0x2800  }
0x13: {  	_ =	swait.ge [sflag:s14], $0x2800  }
0x14: {  	[sflag:s14] =	ssyncset.done $0x0  }
0x15: {  	[sflag:s14] =	ssyncadd.s32 $0xFFFFD800  }
0x16: {  	[bflag:$0x0] =	sbarrier.arrive $0xFFFF  }
0x17: {  	[tilespmem:s3], [sflag:$0x3] =	stream.linear.gather [hbm4b:s6+s3], $0x1400, $0x38;
	[tilespmem:$0x1E800] =	vst v63  }
0x18: {  	_ =	swait.ge [sflag:s14], $0x1400  }
0x19: {  	[sflag:s14] =	ssyncset.done $0x0  }
0x1a: {  	s22 =	simm.s32 $0x1400;
	[sflag:s14] =	ssyncadd.s32 $0xFFFFEC00  }
0x1b: {  	[tilespmem:s22], [sflag:$0x3] =	stream.linear.gather [hbm4b:s8+s3], $0x1400, $0x38;
	[tilespmem:$0x1E800] =	vst v63  }
0x1c: {  	_ =	swait.ge [sflag:s14], $0x1400  }
0x1d: {  	[sflag:s14] =	ssyncset.done $0x0  }
0x1e: {  	s23 =	simm.s32 $0x0;
	[sflag:s14] =	ssyncadd.s32 $0xFFFFEC00  }
0x1f: {  	[tilespmem:s15], [sflag:$0x1] =	stream.indirect.gather [hbm4b:s4+s17], $0x80, s3, s17, $0xb8;
	[tilespmem:$0x1E800] =	vst v63  }
0x20: {  	s23 =	sand.u32 $0x4000, s23;
	_ =	swait.ge [sflag:s16], $0x4000  }
0x21: {  	s24 =	sxor.u32 $0x4000, s23;
	[sflag:s16] =	ssyncset.done $0x0  }
0x22: {  	s24 =	sor.u32 $0x2800, s24;
	[sflag:s16] =	ssyncadd.s32 $0xFFFFC000  }
0x23: {  	[tilespmem:s24], [sflag:$0x1] =	stream.indirect.gather [hbm4b:s4+s17], $0x80, s17, s17, $0xb8;
	[tilespmem:$0x1E800] =	vst v63  }
0x24: {  	s23 =	sor.u32 $0x2800, s23  }
0x25: {  	[spmem:s1] =	stream.indirect.scatter.add.f32 [tilespmem:s23], [sflag:$0x2], $0x80, s22, s17, $0xb8;
	[tilespmem:$0x1E800] =	vst v63  }
0x26: {  	_ =	swait.ge [sflag:s18], $0x4000  }
0x27: {  	s31 =	simm.s32 $0x4000;
	[sflag:s18] =	ssyncset.done $0x0  }
0x28: {  	s24 =	sand.u32 $0x4000, s31;
	[sflag:s18] =	ssyncadd.s32 $0xFFFFC000  }
0x29: {  	s25 =	simm.s32 $0x2;
	s26 =	sxor.u32 $0x4000, s24;
	_ =	swait.ge [sflag:s16], $0x4000  }
0x2a: {  	s22 =	simm.s32 $0x100;
	s23 =	simm.s32 $0x1480;
	[sflag:s16] =	ssyncset.done $0x0  }
.LBB2_2:
0x2b: {  	s26 =	sor.u32 $0x2800, s26  }
0x2c: {  	[sflag:s16] =	ssyncadd.s32 $0xFFFFC000;
	s28 =	smov.u32 s25;
	s29 =	sadd.s32 $0x1, s25  }
0x2d: {  	[tilespmem:s26], [sflag:$0x1] =	stream.indirect.gather [hbm4b:s4+s17], $0x80, s22, s17, $0xb8;
	[tilespmem:$0x1E800] =	vst v63  }
0x2e: {  	p0 =	sne.s32 s25, $0x26;
	s24 =	sor.u32 $0x2800, s24  }
0x2f: {  	[spmem:s1] =	stream.indirect.scatter.add.f32 [tilespmem:s24], [sflag:$0x2], $0x80, s23, s17, $0xb8;
	[tilespmem:$0x1E800] =	vst v63  }
.Ltmp0:
0x30: {  	_ =	swait.ge [sflag:s18], $0x4000;
	(pc) =	sbr.rel @p0 .LBB2_2-.Ltmp0, $4  }
0x31: {  	[sflag:s18] =	ssyncset.done $0x0  }
0x32: {  	s22 =	sadd.s32 $0x80, s22;
	s24 =	sshll.u32 s28, $0xE;
	[sflag:s18] =	ssyncadd.s32 $0xFFFFC000  }
0x33: {  	s25 =	smov.u32 s29;
	s24 =	sand.u32 $0x4000, s24;
	_ =	swait.ge [sflag:s16], $0x4000  }
0x34: {  	s23 =	sadd.s32 $0x80, s23;
	s26 =	sxor.u32 $0x4000, s24;
	[sflag:s16] =	ssyncset.done $0x0  }
0x35: {  	s25 =	sor.u32 $0x2800, s26;
	[sflag:s16] =	ssyncadd.s32 $0xFFFFC000  }
0x36: {  	[tilespmem:s25], [sflag:$0x1] =	stream.indirect.gather [hbm4b:s4+s17], $0x80, s22, s17, $0xb8;
	[tilespmem:$0x1E800] =	vst v63  }
0x37: {  	s31 =	sor.u32 $0x2800, s24  }
0x38: {  	[spmem:s1] =	stream.indirect.scatter.add.f32 [tilespmem:s31], [sflag:$0x2], $0x80, s23, s17, $0xb8;
	[tilespmem:$0x1E800] =	vst v63  }
0x39: {  	_ =	swait.ge [sflag:s18], $0x4000  }
0x3a: {  	[sflag:s18] =	ssyncset.done $0x0  }
0x3b: {  	[sflag:s18] =	ssyncadd.s32 $0xFFFFC000  }
0x3c: {  	_ =	swait.ge [sflag:s16], $0x4000  }
0x3d: {  	[sflag:s16] =	ssyncset.done $0x0  }
0x3e: {  	s24 =	simm.s32 $0x80;
	[sflag:s16] =	ssyncadd.s32 $0xFFFFC000  }
0x3f: {  	[spmem:s1] =	stream.indirect.scatter.add.f32 [tilespmem:s20], [sflag:$0x2], $0x80, s19, s24, $0xb8;
	[tilespmem:$0x1E800] =	vst v63  }
0x40: {  	_ =	swait.ge [sflag:s18], $0x4000  }
0x41: {  	[sflag:s18] =	ssyncset.done $0x0  }
0x42: {  	s25 =	simm.s32 $0x0;
	[sflag:s18] =	ssyncadd.s32 $0xFFFFC000  }
0x43: {  	[tilespmem:s25], [sflag:$0x3] =	stream.linear.gather [hbm4b:s9+s25], $0x1400, $0x38;
	[tilespmem:$0x1E800] =	vst v63  }
0x44: {  	_ =	swait.ge [sflag:s14], $0x1400  }
0x45: {  	[sflag:s14] =	ssyncset.done $0x0  }
0x46: {  	s26 =	simm.s32 $0x1400;
	[sflag:s14] =	ssyncadd.s32 $0xFFFFEC00  }
0x47: {  	[tilespmem:s26], [sflag:$0x3] =	stream.linear.gather [hbm4b:s10+s25], $0x1400, $0x38;
	[tilespmem:$0x1E800] =	vst v63  }
0x48: {  	_ =	swait.ge [sflag:s14], $0x1400  }
0x49: {  	[sflag:s14] =	ssyncset.done $0x0  }
0x4a: {  	s28 =	simm.s32 $0x0;
	[sflag:s14] =	ssyncadd.s32 $0xFFFFEC00  }
0x4b: {  	[tilespmem:s15], [sflag:$0x1] =	stream.indirect.gather [hbm4b:s4+s24], $0x80, s25, s24, $0xb8;
	[tilespmem:$0x1E800] =	vst v63  }
0x4c: {  	s23 =	sand.u32 $0x4000, s28;
	_ =	swait.ge [sflag:s16], $0x4000  }
0x4d: {  	s29 =	sxor.u32 $0x4000, s23;
	[sflag:s16] =	ssyncset.done $0x0  }
0x4e: {  	s25 =	sor.u32 $0x2800, s29;
	[sflag:s16] =	ssyncadd.s32 $0xFFFFC000  }
0x4f: {  	[tilespmem:s25], [sflag:$0x1] =	stream.indirect.gather [hbm4b:s4+s17], $0x80, s24, s17, $0xb8;
	[tilespmem:$0x1E800] =	vst v63  }
0x50: {  	s30 =	sor.u32 $0x2800, s23  }
0x51: {  	[spmem:s1] =	stream.indirect.scatter.add.f32 [tilespmem:s30], [sflag:$0x2], $0x80, s26, s17, $0xb8;
	[tilespmem:$0x1E800] =	vst v63  }
0x52: {  	_ =	swait.ge [sflag:s18], $0x4000  }
0x53: {  	[sflag:s18] =	ssyncset.done $0x0  }
0x54: {  	s22 =	simm.s32 $0x100;
	s31 =	simm.s32 $0x4000;
	[sflag:s18] =	ssyncadd.s32 $0xFFFFC000  }
0x55: {  	s23 =	simm.s32 $0x1480;
	s24 =	sand.u32 $0x4000, s31;
	_ =	swait.ge [sflag:s16], $0x4000  }
0x56: {  	s25 =	simm.s32 $0x2;
	s26 =	sxor.u32 $0x4000, s24;
	[sflag:s16] =	ssyncset.done $0x0  }
.LBB2_4:
0x57: {  	s26 =	sor.u32 $0x2800, s26  }
0x58: {  	[sflag:s16] =	ssyncadd.s32 $0xFFFFC000;
	s28 =	smov.u32 s25;
	s29 =	sadd.s32 $0x1, s25  }
0x59: {  	[tilespmem:s26], [sflag:$0x1] =	stream.indirect.gather [hbm4b:s4+s17], $0x80, s22, s17, $0xb8;
	[tilespmem:$0x1E800] =	vst v63  }
0x5a: {  	p0 =	sne.s32 s25, $0x26;
	s24 =	sor.u32 $0x2800, s24  }
0x5b: {  	[spmem:s1] =	stream.indirect.scatter.add.f32 [tilespmem:s24], [sflag:$0x2], $0x80, s23, s17, $0xb8;
	[tilespmem:$0x1E800] =	vst v63  }
.Ltmp1:
0x5c: {  	_ =	swait.ge [sflag:s18], $0x4000;
	(pc) =	sbr.rel @p0 .LBB2_4-.Ltmp1, $4  }
0x5d: {  	[sflag:s18] =	ssyncset.done $0x0  }
0x5e: {  	s22 =	sadd.s32 $0x80, s22;
	s24 =	sshll.u32 s28, $0xE;
	[sflag:s18] =	ssyncadd.s32 $0xFFFFC000  }
0x5f: {  	s25 =	smov.u32 s29;
	s24 =	sand.u32 $0x4000, s24;
	_ =	swait.ge [sflag:s16], $0x4000  }
0x60: {  	s23 =	sadd.s32 $0x80, s23;
	s26 =	sxor.u32 $0x4000, s24;
	[sflag:s16] =	ssyncset.done $0x0  }
0x61: {  	s25 =	sor.u32 $0x2800, s26;
	[sflag:s16] =	ssyncadd.s32 $0xFFFFC000  }
0x62: {  	[tilespmem:s25], [sflag:$0x1] =	stream.indirect.gather [hbm4b:s4+s17], $0x80, s22, s17, $0xb8;
	[tilespmem:$0x1E800] =	vst v63  }
0x63: {  	s31 =	sor.u32 $0x2800, s24  }
0x64: {  	[spmem:s1] =	stream.indirect.scatter.add.f32 [tilespmem:s31], [sflag:$0x2], $0x80, s23, s17, $0xb8;
	[tilespmem:$0x1E800] =	vst v63  }
0x65: {  	_ =	swait.ge [sflag:s18], $0x4000  }
0x66: {  	[sflag:s18] =	ssyncset.done $0x0  }
0x67: {  	[sflag:s18] =	ssyncadd.s32 $0xFFFFC000  }
0x68: {  	_ =	swait.ge [sflag:s16], $0x4000  }
0x69: {  	[sflag:s16] =	ssyncset.done $0x0  }
0x6a: {  	[sflag:s16] =	ssyncadd.s32 $0xFFFFC000  }
0x6b: {  	[spmem:s1] =	stream.indirect.scatter.add.f32 [tilespmem:s20], [sflag:$0x2], $0x80, s19, s17, $0xb8;
	[tilespmem:$0x1E800] =	vst v63  }
0x6c: {  	_ =	swait.ge [sflag:s18], $0x4000  }
0x6d: {  	s21 =	sadd.s32 $0x1, s21;
	[sflag:s18] =	ssyncset.done $0x0  }
0x6e: {  	p0 =	sne.s32 s21, s12;
	[sflag:s18] =	ssyncadd.s32 $0xFFFFC000  }
.Ltmp2:
0x6f: {  	[bflag:$0x0] =	sbarrier.arrive $0xFFFF;
	(pc) =	sbr.rel @p0 .LBB2_1-.Ltmp2, $4  }
0x70: {  	[hbm:s11], [sflag:s7] =	dma.local [spmem:s13], $0x2800  }
0x71: {  	_ =	swait.ge [sflag:s14], $0x2800  }
0x72: {  	[sflag:s14] =	ssyncset.done $0x0  }
0x73: {  	[sflag:s14] =	ssyncadd.s32 $0xFFFFD800  }
0x74: {  	_ =	sfence.sel $0x180000  }
0x75: {  	[bflag:$0x0] =	sbarrier.arrive $0xFFFF  }
0x76: {  	p0 =	sne.s32 s2, $0x0;
	_ =	strace $0x9000004A  }
0x77: {  	s0 =	sadd.s32 @!p0 $0x100000, s0;
	[bflag:$0x2] =	sbarrier.arrive $0xFFFF  }
0x78: {  	[sflag:s0] =	ssyncadd.tile.s32 @!p0 $0x1;
	_ =	shalt  }
.Lfunc_end2:
_tile_overlayer_lowered:
.L_overlay_start_2:
0x79: {  	(tag) =	ssettag $0x2  }
0x7a: {  	s0 =	rddreg [dreg:$0x0];
	s2 =	stileid.u32  }
0x7b: {  	s1 =	rddreg [dreg:$0x1];
	p0 =	sne.s32 s2, $0x0  }
0x7c: {  	s3 =	rddreg [dreg:$0x2];
	[bflag:$0x3] =	sbarrier.arrive $0xFFFF;
	s2 =	simm.s32 @!p0 $0x1C03  }
0x7d: {  	[timem:s3], [sflag:s2] =	dma.local @!p0 [hbm:s0], s1  }
0x7e: {  	s0 =	simm.s32 @!p0 $0x3  }
0x7f: {  	_ =	swait.ge @!p0 [sflag:s0], s1  }
0x80: {  	s1 =	ssub.s32 @!p0 $0x0, s1;
	[sflag:s0] =	ssyncset.done @!p0 $0x0  }
0x81: {  	[sflag:s0] =	ssyncadd.s32 @!p0 s1  }
0x82: {  	[bflag:$0x3] =	sbarrier.arrive $0xFFFF  }
0x83: {  	_ =	shalt  }

</sc_bundles>
